<compile_context>
chip_gen: v7x
topology: tpu7x:2x2x1
jax: 0.10.2.dev20260603
libtpu: 0.0.44.dev20260713+nightly
codegen_flags: <defaults>
</compile_context>

<pallas_src>
import functools

import jax
import jax.numpy as jnp
from jax import lax
from jax.experimental import pallas as pl
from jax.experimental.pallas import tpu as pltpu
from jax.experimental.pallas import tpu_sc as plsc

_B, _N, _F, _K = 32, 8192, 16, 1024
_BB = 8
_EPS = 1e-10
_IMIN = -2147483648


def _min_kernel(x_ref, o_ref):
    b = pl.program_id(0)
    m = jnp.full((1, 1), jnp.min(jnp.abs(x_ref[...])), jnp.float32)

    @pl.when(b == 0)
    def _():
        o_ref[:, :] = m

    @pl.when(b != 0)
    def _():
        o_ref[:, :] = jnp.minimum(o_ref[:, :], m)


def _select_kernel(xt_ref, m0t_ref, minv_ref, mask_ref):
    x = xt_ref[...]
    m0 = m0t_ref[...]
    v = (x + (minv_ref[:, :] + _EPS)[:, :, None]) * m0
    bits = jax.lax.bitcast_convert_type(v, jnp.int32)
    keys = jnp.where(bits < 0, bits ^ jnp.int32(0x7FFFFFFF), bits)

    def vcond(ipc):
        i, _, c = ipc
        return jnp.logical_and(i < 32, jnp.logical_not(jnp.all(c == _K)))

    def vbody(ipc):
        i, p, c = ipc
        cand = p | jax.lax.shift_left(jnp.int32(1), 31 - i)
        cnt = jnp.sum((keys >= (cand ^ jnp.int32(_IMIN))).astype(jnp.int32),
                      axis=2, keepdims=True)
        acc = cnt >= _K
        return i + 1, jnp.where(acc, cand, p), jnp.where(acc, cnt, c)

    _, p, c = jax.lax.while_loop(
        vcond, vbody, (jnp.int32(0), jnp.zeros((_BB, _F, 1), jnp.int32),
                       jnp.full((_BB, _F, 1), _N, jnp.int32)))
    tkey = p ^ jnp.int32(_IMIN)

    no_ties = jnp.all(c == _K)

    @pl.when(no_ties)
    def _():
        sel = keys >= tkey
        maskf = jnp.max(sel.astype(jnp.float32), axis=1, keepdims=True)
        mask_ref[...] = maskf

    @pl.when(jnp.logical_not(no_ties))
    def _():
        gt = keys > tkey
        eq = keys == tkey
        iota = jax.lax.broadcasted_iota(jnp.int32, (_BB, _F, _N), 2)
        iota_m = jnp.where(eq, iota, jnp.int32(_N))
        g0 = jnp.sum(gt.astype(jnp.int32), axis=2, keepdims=True)

        def ibody(i, p2):
            cand = p2 | jax.lax.shift_left(jnp.int32(1), 12 - i)
            cnt = g0 + jnp.sum((iota_m <= cand).astype(jnp.int32), axis=2,
                               keepdims=True)
            return jnp.where(cnt < _K, cand, p2)

        p2 = jax.lax.fori_loop(0, 13, ibody,
                               jnp.zeros((_BB, _F, 1), jnp.int32))
        gp = g0 + jnp.sum((iota_m <= p2).astype(jnp.int32), axis=2,
                          keepdims=True)
        jstar = p2 + (gp < _K).astype(jnp.int32)

        sel = gt | (iota_m <= jstar)
        maskf = jnp.max(sel.astype(jnp.float32), axis=1, keepdims=True)
        mask_ref[...] = maskf


_CH = 1024


def _make_sc_mul():
    mesh = plsc.VectorSubcoreMesh(core_axis_name="c", subcore_axis_name="s")

    @functools.partial(
        pl.kernel, mesh=mesh,
        out_type=jax.ShapeDtypeStruct((_B * _N * _F,), jnp.float32),
        scratch_types=[
            pltpu.VMEM((_N,), jnp.float32),
            pltpu.VMEM((_CH * _F,), jnp.float32),
        ],
    )
    def _sc_mul(x_hbm, m_hbm, out_hbm, mask_v, buf_v):
        wid = lax.axis_index("s") * 2 + lax.axis_index("c")
        pltpu.sync_copy(m_hbm.at[pl.ds(wid * _N, _N)], mask_v)

        def chunk(ci, carry):
            base = ci * _CH
            pltpu.sync_copy(
                x_hbm.at[pl.ds((wid * _N + base) * _F, _CH * _F)], buf_v)

            def row16(r, c2):
                m16 = mask_v[pl.ds(base + r * 16, 16)]
                for j in range(16):
                    mj = lax.broadcast_in_dim(
                        lax.slice(m16, (j,), (j + 1,)), (16,), (0,))
                    off = (r * 16 + j) * _F
                    buf_v[pl.ds(off, _F)] = buf_v[pl.ds(off, _F)] * mj
                return c2

            lax.fori_loop(0, _CH // 16, row16, 0)
            pltpu.sync_copy(
                buf_v, out_hbm.at[pl.ds((wid * _N + base) * _F, _CH * _F)])
            return carry

        lax.fori_loop(0, _N // _CH, chunk, 0)

    return _sc_mul


_sc_mul_kernel = _make_sc_mul()


@jax.jit
def kernel(input, mask, init_mask):
    del mask
    xt = jnp.transpose(input, (0, 2, 1))
    m0t = jnp.transpose(init_mask, (0, 2, 1))

    minv = pl.pallas_call(
        _min_kernel,
        grid=(_B // _BB,),
        in_specs=[pl.BlockSpec((_BB, _F, _N), lambda b: (b, 0, 0))],
        out_specs=pl.BlockSpec((1, 1), lambda b: (0, 0)),
        out_shape=jax.ShapeDtypeStruct((1, 1), jnp.float32),
    )(xt)

    mask_t = pl.pallas_call(
        _select_kernel,
        grid=(_B // _BB,),
        in_specs=[
            pl.BlockSpec((_BB, _F, _N), lambda b: (b, 0, 0)),
            pl.BlockSpec((_BB, 1, _N), lambda b: (b, 0, 0)),
            pl.BlockSpec((1, 1), lambda b: (0, 0)),
        ],
        out_specs=pl.BlockSpec((_BB, 1, _N), lambda b: (b, 0, 0)),
        out_shape=jax.ShapeDtypeStruct((_B, 1, _N), jnp.float32),
    )(xt, m0t, minv)

    out2 = _sc_mul_kernel(jnp.reshape(input, (_B * _N * _F,)),
                          jnp.reshape(mask_t, (_B * _N,)))
    updated_mask = jnp.reshape(mask_t, (_B, _N, 1))
    masked_out = jnp.reshape(out2, (_B, _N, _F))
    return (updated_mask, masked_out)

# --- scband reference (transcript-rebuilt; emitter-appended) ---
"""Pipeline reference for scband-dynamic-pool-15513421873213 (READ-ONLY COPY).

The authoritative reference and input builder live on the scoring server;
editing this copy changes nothing except your own understanding.
"""

import jax, jax.numpy as jnp
import numpy as np

B, N, F, K = 32, 8192, 16, 1024
EPS = 1e-10


def setup_inputs(seed: int = 0) -> dict:
    key = jax.random.key(seed)
    inp = {}
    inp["input"] = jax.random.normal(jax.random.fold_in(key, 0), (B, N, F), dtype=jnp.float32)
    # forward-arg mask (unused by the module's forward, but part of the signature)
    inp["mask"] = jnp.ones((B, N, 1), dtype=jnp.float32)
    # constructor mask (self.mask), materialized as ones
    inp["init_mask"] = jnp.ones((B, N, 1), dtype=jnp.float32)
    return inp


def reference(input, mask, init_mask):
    # get_max_indices: shift input to be positive, apply persistent mask, sort desc along node dim
    min_element = jnp.min(jnp.abs(jnp.reshape(input, (-1,))))
    input_temp = input + min_element + EPS
    masked_input_temp = input_temp * init_mask  # [B, N, F]
    # torch.sort(dim=1, descending=True) -> indices; take top num_active_nodes per filter
    order = jnp.argsort(-masked_input_temp, axis=1)  # [B, N, F]
    max_indices = order[:, :K, :]  # [B, K, F]
    # update_mask: scatter ones into zeros at the union of selected node indices
    flat_idx = jnp.reshape(max_indices, (B, -1))  # [B, K*F]
    updated = jnp.zeros((B, N), dtype=input.dtype).at[jnp.arange(B)[:, None], flat_idx].set(1.0)
    updated_mask = updated[:, :, None]  # [B, N, 1]
    masked_out = input * updated_mask  # [B, N, F]
    return (updated_mask, masked_out)

if __name__ == "__main__":
    import jax
    _d = setup_inputs()
    print(jax.jit(kernel)(*tuple(_d.values())))

</pallas_src>

<mosaic_0001>
#map = affine_map<(d0, d1) -> (0)>
module attributes {stable_mosaic.version = 14 : i64} {
  func.func @_sc_mul(%arg0: i32, %arg1: i32, %arg2: memref<4194304xf32, #tpu.memory_space<hbm>>, %arg3: memref<262144xf32, #tpu.memory_space<hbm>>, %arg4: memref<4194304xf32, #tpu.memory_space<hbm>>, %arg5: memref<8192xf32, #tpu.memory_space<vmem>>, %arg6: memref<16384xf32, #tpu.memory_space<vmem>>) attributes {dimension_semantics = [#tpu.dimension_semantics<core_parallel>, #tpu.dimension_semantics<subcore_parallel>], iteration_bounds = array<i64: 2, 16>, scalar_prefetch = 0 : i64, scratch_operands = 2 : i64, tpu.core_type = #tpu.core_type<sc_vector_subcore>, window_params = [{transform_indices = #map}, {transform_indices = #map}, {transform_indices = #map}]} {
    %mul3A = arith.constant 2 : i32
    %mul3A_0 = arith.muli %arg1, %mul3A : i32
    %add3A = arith.addi %mul3A_0, %arg0 : i32
    %mul3A_1 = arith.constant 8192 : i32
    %mul3A_2 = arith.muli %add3A, %mul3A_1 : i32
    "tpu.region"() ({
      %run_scoped3A = tpu.sem_alloc : memref<!tpu.dma_semaphore, #tpu.memory_space<semaphore_mem>>
      %dma_start3A = tpu.memref_slice %arg3[%mul3A_2] : memref<262144xf32, #tpu.memory_space<hbm>> -> memref<8192xf32, #tpu.memory_space<hbm>>
      %dma_start3A_8 = tpu.memref_slice %arg3[%mul3A_2] : memref<262144xf32, #tpu.memory_space<hbm>> -> memref<8192xf32, #tpu.memory_space<hbm>>
      tpu.enqueue_dma source(%dma_start3A_8 : memref<8192xf32, #tpu.memory_space<hbm>>) target(%arg5 : memref<8192xf32, #tpu.memory_space<vmem>>) target_semaphore(%run_scoped3A : memref<!tpu.dma_semaphore, #tpu.memory_space<semaphore_mem>>)
      %dma_wait3A = tpu.memref_slice %arg3[%mul3A_2] : memref<262144xf32, #tpu.memory_space<hbm>> -> memref<8192xf32, #tpu.memory_space<hbm>>
      %dma_wait3A_9 = tpu.memref_slice %arg3[%mul3A_2] : memref<262144xf32, #tpu.memory_space<hbm>> -> memref<8192xf32, #tpu.memory_space<hbm>>
      tpu.wait_dma2 semaphore(%run_scoped3A : memref<!tpu.dma_semaphore, #tpu.memory_space<semaphore_mem>>) src(%dma_wait3A_9 : memref<8192xf32, #tpu.memory_space<hbm>>) dst(%arg5 : memref<8192xf32, #tpu.memory_space<vmem>>)
      tpu.yield
    }) : () -> ()
    %scan3A = arith.constant 0 : i32
    %scan3A_3 = arith.constant 0 : i32
    %scan3A_4 = arith.constant 8 : i32
    %scan3A_5 = arith.addi %scan3A_3, %scan3A_4 : i32
    %scan3A_6 = arith.constant 1 : i32
    scf.for %scan3A_8 = %scan3A_3 to %scan3A_5 step %scan3A_6  : i32 {
      %mul3A_9 = arith.constant 1024 : i32
      %mul3A_10 = arith.muli %scan3A_8, %mul3A_9 : i32
      %mul3A_11 = arith.constant 8192 : i32
      %mul3A_12 = arith.muli %add3A, %mul3A_11 : i32
      %add3A_13 = arith.addi %mul3A_12, %mul3A_10 : i32
      %mul3A_14 = arith.constant 16 : i32
      %mul3A_15 = arith.muli %add3A_13, %mul3A_14 : i32
      "tpu.region"() ({
        %run_scoped3A = tpu.sem_alloc : memref<!tpu.dma_semaphore, #tpu.memory_space<semaphore_mem>>
        %dma_start3A = tpu.memref_slice %arg2[%mul3A_15] : memref<4194304xf32, #tpu.memory_space<hbm>> -> memref<16384xf32, #tpu.memory_space<hbm>>
        %dma_start3A_27 = tpu.memref_slice %arg2[%mul3A_15] : memref<4194304xf32, #tpu.memory_space<hbm>> -> memref<16384xf32, #tpu.memory_space<hbm>>
        tpu.enqueue_dma source(%dma_start3A_27 : memref<16384xf32, #tpu.memory_space<hbm>>) target(%arg6 : memref<16384xf32, #tpu.memory_space<vmem>>) target_semaphore(%run_scoped3A : memref<!tpu.dma_semaphore, #tpu.memory_space<semaphore_mem>>)
        %dma_wait3A = tpu.memref_slice %arg2[%mul3A_15] : memref<4194304xf32, #tpu.memory_space<hbm>> -> memref<16384xf32, #tpu.memory_space<hbm>>
        %dma_wait3A_28 = tpu.memref_slice %arg2[%mul3A_15] : memref<4194304xf32, #tpu.memory_space<hbm>> -> memref<16384xf32, #tpu.memory_space<hbm>>
        tpu.wait_dma2 semaphore(%run_scoped3A : memref<!tpu.dma_semaphore, #tpu.memory_space<semaphore_mem>>) src(%dma_wait3A_28 : memref<16384xf32, #tpu.memory_space<hbm>>) dst(%arg6 : memref<16384xf32, #tpu.memory_space<vmem>>)
        tpu.yield
      }) : () -> ()
      %scan3A_16 = arith.constant 0 : i32
      %scan3A_17 = arith.constant 0 : i32
      %scan3A_18 = arith.constant 64 : i32
      %scan3A_19 = arith.addi %scan3A_17, %scan3A_18 : i32
      %scan3A_20 = arith.constant 1 : i32
      scf.for %scan3A_27 = %scan3A_17 to %scan3A_19 step %scan3A_20  : i32 {
        %mul3A_28 = arith.constant 16 : i32
        %mul3A_29 = arith.muli %scan3A_27, %mul3A_28 : i32
        %add3A_30 = arith.addi %mul3A_10, %mul3A_29 : i32
        %get3A = arith.index_cast %add3A_30 : i32 to index
        %get3A_31 = tpu.vector_load %arg5[%get3A] {strides = array<i32>} : memref<8192xf32, #tpu.memory_space<vmem>>, vector<16xf32>,
        %get3A_32 = vector.shape_cast %get3A_31 : vector<16xf32> to vector<16xf32>
        %slice3A = vector.extract_strided_slice %get3A_32 {offsets = [0], sizes = [1], strides = [1]} : vector<16xf32> to vector<1xf32>
        %broadcast_in_dim3A = vector.shape_cast %slice3A : vector<1xf32> to vector<1xf32>
        %broadcast_in_dim3A_33 = vector.broadcast %broadcast_in_dim3A : vector<1xf32> to vector<16xf32>
        %mul3A_34 = arith.constant 16 : i32
        %mul3A_35 = arith.muli %scan3A_27, %mul3A_34 : i32
        %add3A_36 = arith.constant 0 : i32
        %add3A_37 = arith.addi %mul3A_35, %add3A_36 : i32
        %mul3A_38 = arith.constant 16 : i32
        %mul3A_39 = arith.muli %add3A_37, %mul3A_38 : i32
        %get3A_40 = arith.index_cast %mul3A_39 : i32 to index
        %get3A_41 = tpu.vector_load %arg6[%get3A_40] {strides = array<i32>} : memref<16384xf32, #tpu.memory_space<vmem>>, vector<16xf32>,
        %get3A_42 = vector.shape_cast %get3A_41 : vector<16xf32> to vector<16xf32>
        %mul3A_43 = arith.mulf %get3A_42, %broadcast_in_dim3A_33 : vector<16xf32>
        %swap3A = arith.index_cast %mul3A_39 : i32 to index
        %swap3A_44 = tpu.vector_load %arg6[%swap3A] {strides = array<i32>} : memref<16384xf32, #tpu.memory_space<vmem>>, vector<16xf32>,
        %swap3A_45 = vector.shape_cast %swap3A_44 : vector<16xf32> to vector<16xf32>
        %swap3A_46 = vector.shape_cast %mul3A_43 : vector<16xf32> to vector<16xf32>
        tpu.vector_store %arg6[%swap3A], %swap3A_46 {strides = array<i32>} : memref<16384xf32, #tpu.memory_space<vmem>>, vector<16xf32>,
        %slice3A_47 = vector.extract_strided_slice %get3A_32 {offsets = [1], sizes = [1], strides = [1]} : vector<16xf32> to vector<1xf32>
        %broadcast_in_dim3A_48 = vector.shape_cast %slice3A_47 : vector<1xf32> to vector<1xf32>
        %broadcast_in_dim3A_49 = vector.broadcast %broadcast_in_dim3A_48 : vector<1xf32> to vector<16xf32>
        %mul3A_50 = arith.constant 16 : i32
        %mul3A_51 = arith.muli %scan3A_27, %mul3A_50 : i32
        %add3A_52 = arith.constant 1 : i32
        %add3A_53 = arith.addi %mul3A_51, %add3A_52 : i32
        %mul3A_54 = arith.constant 16 : i32
        %mul3A_55 = arith.muli %add3A_53, %mul3A_54 : i32
        %get3A_56 = arith.index_cast %mul3A_55 : i32 to index
        %get3A_57 = tpu.vector_load %arg6[%get3A_56] {strides = array<i32>} : memref<16384xf32, #tpu.memory_space<vmem>>, vector<16xf32>,
        %get3A_58 = vector.shape_cast %get3A_57 : vector<16xf32> to vector<16xf32>
        %mul3A_59 = arith.mulf %get3A_58, %broadcast_in_dim3A_49 : vector<16xf32>
        %swap3A_60 = arith.index_cast %mul3A_55 : i32 to index
        %swap3A_61 = tpu.vector_load %arg6[%swap3A_60] {strides = array<i32>} : memref<16384xf32, #tpu.memory_space<vmem>>, vector<16xf32>,
        %swap3A_62 = vector.shape_cast %swap3A_61 : vector<16xf32> to vector<16xf32>
        %swap3A_63 = vector.shape_cast %mul3A_59 : vector<16xf32> to vector<16xf32>
        tpu.vector_store %arg6[%swap3A_60], %swap3A_63 {strides = array<i32>} : memref<16384xf32, #tpu.memory_space<vmem>>, vector<16xf32>,
        %slice3A_64 = vector.extract_strided_slice %get3A_32 {offsets = [2], sizes = [1], strides = [1]} : vector<16xf32> to vector<1xf32>
        %broadcast_in_dim3A_65 = vector.shape_cast %slice3A_64 : vector<1xf32> to vector<1xf32>
        %broadcast_in_dim3A_66 = vector.broadcast %broadcast_in_dim3A_65 : vector<1xf32> to vector<16xf32>
        %mul3A_67 = arith.constant 16 : i32
        %mul3A_68 = arith.muli %scan3A_27, %mul3A_67 : i32
        %add3A_69 = arith.constant 2 : i32
        %add3A_70 = arith.addi %mul3A_68, %add3A_69 : i32
        %mul3A_71 = arith.constant 16 : i32
        %mul3A_72 = arith.muli %add3A_70, %mul3A_71 : i32
        %get3A_73 = arith.index_cast %mul3A_72 : i32 to index
        %get3A_74 = tpu.vector_load %arg6[%get3A_73] {strides = array<i32>} : memref<16384xf32, #tpu.memory_space<vmem>>, vector<16xf32>,
        %get3A_75 = vector.shape_cast %get3A_74 : vector<16xf32> to vector<16xf32>
        %mul3A_76 = arith.mulf %get3A_75, %broadcast_in_dim3A_66 : vector<16xf32>
        %swap3A_77 = arith.index_cast %mul3A_72 : i32 to index
        %swap3A_78 = tpu.vector_load %arg6[%swap3A_77] {strides = array<i32>} : memref<16384xf32, #tpu.memory_space<vmem>>, vector<16xf32>,
        %swap3A_79 = vector.shape_cast %swap3A_78 : vector<16xf32> to vector<16xf32>
        %swap3A_80 = vector.shape_cast %mul3A_76 : vector<16xf32> to vector<16xf32>
        tpu.vector_store %arg6[%swap3A_77], %swap3A_80 {strides = array<i32>} : memref<16384xf32, #tpu.memory_space<vmem>>, vector<16xf32>,
        %slice3A_81 = vector.extract_strided_slice %get3A_32 {offsets = [3], sizes = [1], strides = [1]} : vector<16xf32> to vector<1xf32>
        %broadcast_in_dim3A_82 = vector.shape_cast %slice3A_81 : vector<1xf32> to vector<1xf32>
        %broadcast_in_dim3A_83 = vector.broadcast %broadcast_in_dim3A_82 : vector<1xf32> to vector<16xf32>
        %mul3A_84 = arith.constant 16 : i32
        %mul3A_85 = arith.muli %scan3A_27, %mul3A_84 : i32
        %add3A_86 = arith.constant 3 : i32
        %add3A_87 = arith.addi %mul3A_85, %add3A_86 : i32
        %mul3A_88 = arith.constant 16 : i32
        %mul3A_89 = arith.muli %add3A_87, %mul3A_88 : i32
        %get3A_90 = arith.index_cast %mul3A_89 : i32 to index
        %get3A_91 = tpu.vector_load %arg6[%get3A_90] {strides = array<i32>} : memref<16384xf32, #tpu.memory_space<vmem>>, vector<16xf32>,
        %get3A_92 = vector.shape_cast %get3A_91 : vector<16xf32> to vector<16xf32>
        %mul3A_93 = arith.mulf %get3A_92, %broadcast_in_dim3A_83 : vector<16xf32>
        %swap3A_94 = arith.index_cast %mul3A_89 : i32 to index
        %swap3A_95 = tpu.vector_load %arg6[%swap3A_94] {strides = array<i32>} : memref<16384xf32, #tpu.memory_space<vmem>>, vector<16xf32>,
        %swap3A_96 = vector.shape_cast %swap3A_95 : vector<16xf32> to vector<16xf32>
        %swap3A_97 = vector.shape_cast %mul3A_93 : vector<16xf32> to vector<16xf32>
        tpu.vector_store %arg6[%swap3A_94], %swap3A_97 {strides = array<i32>} : memref<16384xf32, #tpu.memory_space<vmem>>, vector<16xf32>,
        %slice3A_98 = vector.extract_strided_slice %get3A_32 {offsets = [4], sizes = [1], strides = [1]} : vector<16xf32> to vector<1xf32>
        %broadcast_in_dim3A_99 = vector.shape_cast %slice3A_98 : vector<1xf32> to vector<1xf32>
        %broadcast_in_dim3A_100 = vector.broadcast %broadcast_in_dim3A_99 : vector<1xf32> to vector<16xf32>
        %mul3A_101 = arith.constant 16 : i32
        %mul3A_102 = arith.muli %scan3A_27, %mul3A_101 : i32
        %add3A_103 = arith.constant 4 : i32
        %add3A_104 = arith.addi %mul3A_102, %add3A_103 : i32
        %mul3A_105 = arith.constant 16 : i32
        %mul3A_106 = arith.muli %add3A_104, %mul3A_105 : i32
        %get3A_107 = arith.index_cast %mul3A_106 : i32 to index
        %get3A_108 = tpu.vector_load %arg6[%get3A_107] {strides = array<i32>} : memref<16384xf32, #tpu.memory_space<vmem>>, vector<16xf32>,
        %get3A_109 = vector.shape_cast %get3A_108 : vector<16xf32> to vector<16xf32>
        %mul3A_110 = arith.mulf %get3A_109, %broadcast_in_dim3A_100 : vector<16xf32>
        %swap3A_111 = arith.index_cast %mul3A_106 : i32 to index
        %swap3A_112 = tpu.vector_load %arg6[%swap3A_111] {strides = array<i32>} : memref<16384xf32, #tpu.memory_space<vmem>>, vector<16xf32>,
        %swap3A_113 = vector.shape_cast %swap3A_112 : vector<16xf32> to vector<16xf32>
        %swap3A_114 = vector.shape_cast %mul3A_110 : vector<16xf32> to vector<16xf32>
        tpu.vector_store %arg6[%swap3A_111], %swap3A_114 {strides = array<i32>} : memref<16384xf32, #tpu.memory_space<vmem>>, vector<16xf32>,
        %slice3A_115 = vector.extract_strided_slice %get3A_32 {offsets = [5], sizes = [1], strides = [1]} : vector<16xf32> to vector<1xf32>
        %broadcast_in_dim3A_116 = vector.shape_cast %slice3A_115 : vector<1xf32> to vector<1xf32>
        %broadcast_in_dim3A_117 = vector.broadcast %broadcast_in_dim3A_116 : vector<1xf32> to vector<16xf32>
        %mul3A_118 = arith.constant 16 : i32
        %mul3A_119 = arith.muli %scan3A_27, %mul3A_118 : i32
        %add3A_120 = arith.constant 5 : i32
        %add3A_121 = arith.addi %mul3A_119, %add3A_120 : i32
        %mul3A_122 = arith.constant 16 : i32
        %mul3A_123 = arith.muli %add3A_121, %mul3A_122 : i32
        %get3A_124 = arith.index_cast %mul3A_123 : i32 to index
        %get3A_125 = tpu.vector_load %arg6[%get3A_124] {strides = array<i32>} : memref<16384xf32, #tpu.memory_space<vmem>>, vector<16xf32>,
        %get3A_126 = vector.shape_cast %get3A_125 : vector<16xf32> to vector<16xf32>
        %mul3A_127 = arith.mulf %get3A_126, %broadcast_in_dim3A_117 : vector<16xf32>
        %swap3A_128 = arith.index_cast %mul3A_123 : i32 to index
        %swap3A_129 = tpu.vector_load %arg6[%swap3A_128] {strides = array<i32>} : memref<16384xf32, #tpu.memory_space<vmem>>, vector<16xf32>,
        %swap3A_130 = vector.shape_cast %swap3A_129 : vector<16xf32> to vector<16xf32>
        %swap3A_131 = vector.shape_cast %mul3A_127 : vector<16xf32> to vector<16xf32>
        tpu.vector_store %arg6[%swap3A_128], %swap3A_131 {strides = array<i32>} : memref<16384xf32, #tpu.memory_space<vmem>>, vector<16xf32>,
        %slice3A_132 = vector.extract_strided_slice %get3A_32 {offsets = [6], sizes = [1], strides = [1]} : vector<16xf32> to vector<1xf32>
        %broadcast_in_dim3A_133 = vector.shape_cast %slice3A_132 : vector<1xf32> to vector<1xf32>
        %broadcast_in_dim3A_134 = vector.broadcast %broadcast_in_dim3A_133 : vector<1xf32> to vector<16xf32>
        %mul3A_135 = arith.constant 16 : i32
        %mul3A_136 = arith.muli %scan3A_27, %mul3A_135 : i32
        %add3A_137 = arith.constant 6 : i32
        %add3A_138 = arith.addi %mul3A_136, %add3A_137 : i32
        %mul3A_139 = arith.constant 16 : i32
        %mul3A_140 = arith.muli %add3A_138, %mul3A_139 : i32
        %get3A_141 = arith.index_cast %mul3A_140 : i32 to index
        %get3A_142 = tpu.vector_load %arg6[%get3A_141] {strides = array<i32>} : memref<16384xf32, #tpu.memory_space<vmem>>, vector<16xf32>,
        %get3A_143 = vector.shape_cast %get3A_142 : vector<16xf32> to vector<16xf32>
        %mul3A_144 = arith.mulf %get3A_143, %broadcast_in_dim3A_134 : vector<16xf32>
        %swap3A_145 = arith.index_cast %mul3A_140 : i32 to index
        %swap3A_146 = tpu.vector_load %arg6[%swap3A_145] {strides = array<i32>} : memref<16384xf32, #tpu.memory_space<vmem>>, vector<16xf32>,
        %swap3A_147 = vector.shape_cast %swap3A_146 : vector<16xf32> to vector<16xf32>
        %swap3A_148 = vector.shape_cast %mul3A_144 : vector<16xf32> to vector<16xf32>
        tpu.vector_store %arg6[%swap3A_145], %swap3A_148 {strides = array<i32>} : memref<16384xf32, #tpu.memory_space<vmem>>, vector<16xf32>,
        %slice3A_149 = vector.extract_strided_slice %get3A_32 {offsets = [7], sizes = [1], strides = [1]} : vector<16xf32> to vector<1xf32>
        %broadcast_in_dim3A_150 = vector.shape_cast %slice3A_149 : vector<1xf32> to vector<1xf32>
        %broadcast_in_dim3A_151 = vector.broadcast %broadcast_in_dim3A_150 : vector<1xf32> to vector<16xf32>
        %mul3A_152 = arith.constant 16 : i32
        %mul3A_153 = arith.muli %scan3A_27, %mul3A_152 : i32
        %add3A_154 = arith.constant 7 : i32
        %add3A_155 = arith.addi %mul3A_153, %add3A_154 : i32
        %mul3A_156 = arith.constant 16 : i32
        %mul3A_157 = arith.muli %add3A_155, %mul3A_156 : i32
        %get3A_158 = arith.index_cast %mul3A_157 : i32 to index
        %get3A_159 = tpu.vector_load %arg6[%get3A_158] {strides = array<i32>} : memref<16384xf32, #tpu.memory_space<vmem>>, vector<16xf32>,
        %get3A_160 = vector.shape_cast %get3A_159 : vector<16xf32> to vector<16xf32>
        %mul3A_161 = arith.mulf %get3A_160, %broadcast_in_dim3A_151 : vector<16xf32>
        %swap3A_162 = arith.index_cast %mul3A_157 : i32 to index
        %swap3A_163 = tpu.vector_load %arg6[%swap3A_162] {strides = array<i32>} : memref<16384xf32, #tpu.memory_space<vmem>>, vector<16xf32>,
        %swap3A_164 = vector.shape_cast %swap3A_163 : vector<16xf32> to vector<16xf32>
        %swap3A_165 = vector.shape_cast %mul3A_161 : vector<16xf32> to vector<16xf32>
        tpu.vector_store %arg6[%swap3A_162], %swap3A_165 {strides = array<i32>} : memref<16384xf32, #tpu.memory_space<vmem>>, vector<16xf32>,
        %slice3A_166 = vector.extract_strided_slice %get3A_32 {offsets = [8], sizes = [1], strides = [1]} : vector<16xf32> to vector<1xf32>
        %broadcast_in_dim3A_167 = vector.shape_cast %slice3A_166 : vector<1xf32> to vector<1xf32>
        %broadcast_in_dim3A_168 = vector.broadcast %broadcast_in_dim3A_167 : vector<1xf32> to vector<16xf32>
        %mul3A_169 = arith.constant 16 : i32
        %mul3A_170 = arith.muli %scan3A_27, %mul3A_169 : i32
        %add3A_171 = arith.constant 8 : i32
        %add3A_172 = arith.addi %mul3A_170, %add3A_171 : i32
        %mul3A_173 = arith.constant 16 : i32
        %mul3A_174 = arith.muli %add3A_172, %mul3A_173 : i32
        %get3A_175 = arith.index_cast %mul3A_174 : i32 to index
        %get3A_176 = tpu.vector_load %arg6[%get3A_175] {strides = array<i32>} : memref<16384xf32, #tpu.memory_space<vmem>>, vector<16xf32>,
        %get3A_177 = vector.shape_cast %get3A_176 : vector<16xf32> to vector<16xf32>
        %mul3A_178 = arith.mulf %get3A_177, %broadcast_in_dim3A_168 : vector<16xf32>
        %swap3A_179 = arith.index_cast %mul3A_174 : i32 to index
        %swap3A_180 = tpu.vector_load %arg6[%swap3A_179] {strides = array<i32>} : memref<16384xf32, #tpu.memory_space<vmem>>, vector<16xf32>,
        %swap3A_181 = vector.shape_cast %swap3A_180 : vector<16xf32> to vector<16xf32>
        %swap3A_182 = vector.shape_cast %mul3A_178 : vector<16xf32> to vector<16xf32>
        tpu.vector_store %arg6[%swap3A_179], %swap3A_182 {strides = array<i32>} : memref<16384xf32, #tpu.memory_space<vmem>>, vector<16xf32>,
        %slice3A_183 = vector.extract_strided_slice %get3A_32 {offsets = [9], sizes = [1], strides = [1]} : vector<16xf32> to vector<1xf32>
        %broadcast_in_dim3A_184 = vector.shape_cast %slice3A_183 : vector<1xf32> to vector<1xf32>
        %broadcast_in_dim3A_185 = vector.broadcast %broadcast_in_dim3A_184 : vector<1xf32> to vector<16xf32>
        %mul3A_186 = arith.constant 16 : i32
        %mul3A_187 = arith.muli %scan3A_27, %mul3A_186 : i32
        %add3A_188 = arith.constant 9 : i32
        %add3A_189 = arith.addi %mul3A_187, %add3A_188 : i32
        %mul3A_190 = arith.constant 16 : i32
        %mul3A_191 = arith.muli %add3A_189, %mul3A_190 : i32
        %get3A_192 = arith.index_cast %mul3A_191 : i32 to index
        %get3A_193 = tpu.vector_load %arg6[%get3A_192] {strides = array<i32>} : memref<16384xf32, #tpu.memory_space<vmem>>, vector<16xf32>,
        %get3A_194 = vector.shape_cast %get3A_193 : vector<16xf32> to vector<16xf32>
        %mul3A_195 = arith.mulf %get3A_194, %broadcast_in_dim3A_185 : vector<16xf32>
        %swap3A_196 = arith.index_cast %mul3A_191 : i32 to index
        %swap3A_197 = tpu.vector_load %arg6[%swap3A_196] {strides = array<i32>} : memref<16384xf32, #tpu.memory_space<vmem>>, vector<16xf32>,
        %swap3A_198 = vector.shape_cast %swap3A_197 : vector<16xf32> to vector<16xf32>
        %swap3A_199 = vector.shape_cast %mul3A_195 : vector<16xf32> to vector<16xf32>
        tpu.vector_store %arg6[%swap3A_196], %swap3A_199 {strides = array<i32>} : memref<16384xf32, #tpu.memory_space<vmem>>, vector<16xf32>,
        %slice3A_200 = vector.extract_strided_slice %get3A_32 {offsets = [10], sizes = [1], strides = [1]} : vector<16xf32> to vector<1xf32>
        %broadcast_in_dim3A_201 = vector.shape_cast %slice3A_200 : vector<1xf32> to vector<1xf32>
        %broadcast_in_dim3A_202 = vector.broadcast %broadcast_in_dim3A_201 : vector<1xf32> to vector<16xf32>
        %mul3A_203 = arith.constant 16 : i32
        %mul3A_204 = arith.muli %scan3A_27, %mul3A_203 : i32
        %add3A_205 = arith.constant 10 : i32
        %add3A_206 = arith.addi %mul3A_204, %add3A_205 : i32
        %mul3A_207 = arith.constant 16 : i32
        %mul3A_208 = arith.muli %add3A_206, %mul3A_207 : i32
        %get3A_209 = arith.index_cast %mul3A_208 : i32 to index
        %get3A_210 = tpu.vector_load %arg6[%get3A_209] {strides = array<i32>} : memref<16384xf32, #tpu.memory_space<vmem>>, vector<16xf32>,
        %get3A_211 = vector.shape_cast %get3A_210 : vector<16xf32> to vector<16xf32>
        %mul3A_212 = arith.mulf %get3A_211, %broadcast_in_dim3A_202 : vector<16xf32>
        %swap3A_213 = arith.index_cast %mul3A_208 : i32 to index
        %swap3A_214 = tpu.vector_load %arg6[%swap3A_213] {strides = array<i32>} : memref<16384xf32, #tpu.memory_space<vmem>>, vector<16xf32>,
        %swap3A_215 = vector.shape_cast %swap3A_214 : vector<16xf32> to vector<16xf32>
        %swap3A_216 = vector.shape_cast %mul3A_212 : vector<16xf32> to vector<16xf32>
        tpu.vector_store %arg6[%swap3A_213], %swap3A_216 {strides = array<i32>} : memref<16384xf32, #tpu.memory_space<vmem>>, vector<16xf32>,
        %slice3A_217 = vector.extract_strided_slice %get3A_32 {offsets = [11], sizes = [1], strides = [1]} : vector<16xf32> to vector<1xf32>
        %broadcast_in_dim3A_218 = vector.shape_cast %slice3A_217 : vector<1xf32> to vector<1xf32>
        %broadcast_in_dim3A_219 = vector.broadcast %broadcast_in_dim3A_218 : vector<1xf32> to vector<16xf32>
        %mul3A_220 = arith.constant 16 : i32
        %mul3A_221 = arith.muli %scan3A_27, %mul3A_220 : i32
        %add3A_222 = arith.constant 11 : i32
        %add3A_223 = arith.addi %mul3A_221, %add3A_222 : i32
        %mul3A_224 = arith.constant 16 : i32
        %mul3A_225 = arith.muli %add3A_223, %mul3A_224 : i32
        %get3A_226 = arith.index_cast %mul3A_225 : i32 to index
        %get3A_227 = tpu.vector_load %arg6[%get3A_226] {strides = array<i32>} : memref<16384xf32, #tpu.memory_space<vmem>>, vector<16xf32>,
        %get3A_228 = vector.shape_cast %get3A_227 : vector<16xf32> to vector<16xf32>
        %mul3A_229 = arith.mulf %get3A_228, %broadcast_in_dim3A_219 : vector<16xf32>
        %swap3A_230 = arith.index_cast %mul3A_225 : i32 to index
        %swap3A_231 = tpu.vector_load %arg6[%swap3A_230] {strides = array<i32>} : memref<16384xf32, #tpu.memory_space<vmem>>, vector<16xf32>,
        %swap3A_232 = vector.shape_cast %swap3A_231 : vector<16xf32> to vector<16xf32>
        %swap3A_233 = vector.shape_cast %mul3A_229 : vector<16xf32> to vector<16xf32>
        tpu.vector_store %arg6[%swap3A_230], %swap3A_233 {strides = array<i32>} : memref<16384xf32, #tpu.memory_space<vmem>>, vector<16xf32>,
        %slice3A_234 = vector.extract_strided_slice %get3A_32 {offsets = [12], sizes = [1], strides = [1]} : vector<16xf32> to vector<1xf32>
        %broadcast_in_dim3A_235 = vector.shape_cast %slice3A_234 : vector<1xf32> to vector<1xf32>
        %broadcast_in_dim3A_236 = vector.broadcast %broadcast_in_dim3A_235 : vector<1xf32> to vector<16xf32>
        %mul3A_237 = arith.constant 16 : i32
        %mul3A_238 = arith.muli %scan3A_27, %mul3A_237 : i32
        %add3A_239 = arith.constant 12 : i32
        %add3A_240 = arith.addi %mul3A_238, %add3A_239 : i32
        %mul3A_241 = arith.constant 16 : i32
        %mul3A_242 = arith.muli %add3A_240, %mul3A_241 : i32
        %get3A_243 = arith.index_cast %mul3A_242 : i32 to index
        %get3A_244 = tpu.vector_load %arg6[%get3A_243] {strides = array<i32>} : memref<16384xf32, #tpu.memory_space<vmem>>, vector<16xf32>,
        %get3A_245 = vector.shape_cast %get3A_244 : vector<16xf32> to vector<16xf32>
        %mul3A_246 = arith.mulf %get3A_245, %broadcast_in_dim3A_236 : vector<16xf32>
        %swap3A_247 = arith.index_cast %mul3A_242 : i32 to index
        %swap3A_248 = tpu.vector_load %arg6[%swap3A_247] {strides = array<i32>} : memref<16384xf32, #tpu.memory_space<vmem>>, vector<16xf32>,
        %swap3A_249 = vector.shape_cast %swap3A_248 : vector<16xf32> to vector<16xf32>
        %swap3A_250 = vector.shape_cast %mul3A_246 : vector<16xf32> to vector<16xf32>
        tpu.vector_store %arg6[%swap3A_247], %swap3A_250 {strides = array<i32>} : memref<16384xf32, #tpu.memory_space<vmem>>, vector<16xf32>,
        %slice3A_251 = vector.extract_strided_slice %get3A_32 {offsets = [13], sizes = [1], strides = [1]} : vector<16xf32> to vector<1xf32>
        %broadcast_in_dim3A_252 = vector.shape_cast %slice3A_251 : vector<1xf32> to vector<1xf32>
        %broadcast_in_dim3A_253 = vector.broadcast %broadcast_in_dim3A_252 : vector<1xf32> to vector<16xf32>
        %mul3A_254 = arith.constant 16 : i32
        %mul3A_255 = arith.muli %scan3A_27, %mul3A_254 : i32
        %add3A_256 = arith.constant 13 : i32
        %add3A_257 = arith.addi %mul3A_255, %add3A_256 : i32
        %mul3A_258 = arith.constant 16 : i32
        %mul3A_259 = arith.muli %add3A_257, %mul3A_258 : i32
        %get3A_260 = arith.index_cast %mul3A_259 : i32 to index
        %get3A_261 = tpu.vector_load %arg6[%get3A_260] {strides = array<i32>} : memref<16384xf32, #tpu.memory_space<vmem>>, vector<16xf32>,
        %get3A_262 = vector.shape_cast %get3A_261 : vector<16xf32> to vector<16xf32>
        %mul3A_263 = arith.mulf %get3A_262, %broadcast_in_dim3A_253 : vector<16xf32>
        %swap3A_264 = arith.index_cast %mul3A_259 : i32 to index
        %swap3A_265 = tpu.vector_load %arg6[%swap3A_264] {strides = array<i32>} : memref<16384xf32, #tpu.memory_space<vmem>>, vector<16xf32>,
        %swap3A_266 = vector.shape_cast %swap3A_265 : vector<16xf32> to vector<16xf32>
        %swap3A_267 = vector.shape_cast %mul3A_263 : vector<16xf32> to vector<16xf32>
        tpu.vector_store %arg6[%swap3A_264], %swap3A_267 {strides = array<i32>} : memref<16384xf32, #tpu.memory_space<vmem>>, vector<16xf32>,
        %slice3A_268 = vector.extract_strided_slice %get3A_32 {offsets = [14], sizes = [1], strides = [1]} : vector<16xf32> to vector<1xf32>
        %broadcast_in_dim3A_269 = vector.shape_cast %slice3A_268 : vector<1xf32> to vector<1xf32>
        %broadcast_in_dim3A_270 = vector.broadcast %broadcast_in_dim3A_269 : vector<1xf32> to vector<16xf32>
        %mul3A_271 = arith.constant 16 : i32
        %mul3A_272 = arith.muli %scan3A_27, %mul3A_271 : i32
        %add3A_273 = arith.constant 14 : i32
        %add3A_274 = arith.addi %mul3A_272, %add3A_273 : i32
        %mul3A_275 = arith.constant 16 : i32
        %mul3A_276 = arith.muli %add3A_274, %mul3A_275 : i32
        %get3A_277 = arith.index_cast %mul3A_276 : i32 to index
        %get3A_278 = tpu.vector_load %arg6[%get3A_277] {strides = array<i32>} : memref<16384xf32, #tpu.memory_space<vmem>>, vector<16xf32>,
        %get3A_279 = vector.shape_cast %get3A_278 : vector<16xf32> to vector<16xf32>
        %mul3A_280 = arith.mulf %get3A_279, %broadcast_in_dim3A_270 : vector<16xf32>
        %swap3A_281 = arith.index_cast %mul3A_276 : i32 to index
        %swap3A_282 = tpu.vector_load %arg6[%swap3A_281] {strides = array<i32>} : memref<16384xf32, #tpu.memory_space<vmem>>, vector<16xf32>,
        %swap3A_283 = vector.shape_cast %swap3A_282 : vector<16xf32> to vector<16xf32>
        %swap3A_284 = vector.shape_cast %mul3A_280 : vector<16xf32> to vector<16xf32>
        tpu.vector_store %arg6[%swap3A_281], %swap3A_284 {strides = array<i32>} : memref<16384xf32, #tpu.memory_space<vmem>>, vector<16xf32>,
        %slice3A_285 = vector.extract_strided_slice %get3A_32 {offsets = [15], sizes = [1], strides = [1]} : vector<16xf32> to vector<1xf32>
        %broadcast_in_dim3A_286 = vector.shape_cast %slice3A_285 : vector<1xf32> to vector<1xf32>
        %broadcast_in_dim3A_287 = vector.broadcast %broadcast_in_dim3A_286 : vector<1xf32> to vector<16xf32>
        %mul3A_288 = arith.constant 16 : i32
        %mul3A_289 = arith.muli %scan3A_27, %mul3A_288 : i32
        %add3A_290 = arith.constant 15 : i32
        %add3A_291 = arith.addi %mul3A_289, %add3A_290 : i32
        %mul3A_292 = arith.constant 16 : i32
        %mul3A_293 = arith.muli %add3A_291, %mul3A_292 : i32
        %get3A_294 = arith.index_cast %mul3A_293 : i32 to index
        %get3A_295 = tpu.vector_load %arg6[%get3A_294] {strides = array<i32>} : memref<16384xf32, #tpu.memory_space<vmem>>, vector<16xf32>,
        %get3A_296 = vector.shape_cast %get3A_295 : vector<16xf32> to vector<16xf32>
        %mul3A_297 = arith.mulf %get3A_296, %broadcast_in_dim3A_287 : vector<16xf32>
        %swap3A_298 = arith.index_cast %mul3A_293 : i32 to index
        %swap3A_299 = tpu.vector_load %arg6[%swap3A_298] {strides = array<i32>} : memref<16384xf32, #tpu.memory_space<vmem>>, vector<16xf32>,
        %swap3A_300 = vector.shape_cast %swap3A_299 : vector<16xf32> to vector<16xf32>
        %swap3A_301 = vector.shape_cast %mul3A_297 : vector<16xf32> to vector<16xf32>
        tpu.vector_store %arg6[%swap3A_298], %swap3A_301 {strides = array<i32>} : memref<16384xf32, #tpu.memory_space<vmem>>, vector<16xf32>,
      }
      %scan3A_21 = arith.constant 64 : i32
      %mul3A_22 = arith.constant 8192 : i32
      %mul3A_23 = arith.muli %add3A, %mul3A_22 : i32
      %add3A_24 = arith.addi %mul3A_23, %mul3A_10 : i32
      %mul3A_25 = arith.constant 16 : i32
      %mul3A_26 = arith.muli %add3A_24, %mul3A_25 : i32
      "tpu.region"() ({
        %run_scoped3A = tpu.sem_alloc : memref<!tpu.dma_semaphore, #tpu.memory_space<semaphore_mem>>
        %dma_start3A = tpu.memref_slice %arg4[%mul3A_26] : memref<4194304xf32, #tpu.memory_space<hbm>> -> memref<16384xf32, #tpu.memory_space<hbm>>
        %dma_start3A_27 = tpu.memref_slice %arg4[%mul3A_26] : memref<4194304xf32, #tpu.memory_space<hbm>> -> memref<16384xf32, #tpu.memory_space<hbm>>
        tpu.enqueue_dma source(%arg6 : memref<16384xf32, #tpu.memory_space<vmem>>) target(%dma_start3A_27 : memref<16384xf32, #tpu.memory_space<hbm>>) target_semaphore(%run_scoped3A : memref<!tpu.dma_semaphore, #tpu.memory_space<semaphore_mem>>)
        %dma_wait3A = tpu.memref_slice %arg4[%mul3A_26] : memref<4194304xf32, #tpu.memory_space<hbm>> -> memref<16384xf32, #tpu.memory_space<hbm>>
        %dma_wait3A_28 = tpu.memref_slice %arg4[%mul3A_26] : memref<4194304xf32, #tpu.memory_space<hbm>> -> memref<16384xf32, #tpu.memory_space<hbm>>
        tpu.wait_dma2 semaphore(%run_scoped3A : memref<!tpu.dma_semaphore, #tpu.memory_space<semaphore_mem>>) src(%arg6 : memref<16384xf32, #tpu.memory_space<vmem>>) dst(%dma_wait3A_28 : memref<16384xf32, #tpu.memory_space<hbm>>)
        tpu.yield
      }) : () -> ()
    }
    %scan3A_7 = arith.constant 8 : i32
    return
  }
}

module attributes {stable_mosaic.version = 14 : i64} {
  func.func @_min_kernel(%arg0: i32, %arg1: memref<8x16x8192xf32, #tpu.memory_space<vmem>>, %arg2: memref<1x1xf32, #tpu.memory_space<vmem>>) attributes {dimension_semantics = [#tpu.dimension_semantics<arbitrary>], iteration_bounds = array<i64: 4>, scalar_prefetch = 0 : i64, scratch_operands = 0 : i64, tpu.core_type = #tpu.core_type<tc>, window_params = [{transform_indices = @transform_0, window_bounds = array<i64: 8, 16, 8192>}, {pipeline_mode = #tpu.pipeline_mode<synchronous>, transform_indices = @transform_1, window_bounds = array<i64: 1, 1>}]} {
    %get3A = arith.constant 0 : index
    %get3A_0 = arith.constant 0 : index
    %get3A_1 = arith.constant 0 : index
    %get3A_2 = vector.load %arg1[%get3A, %get3A_0, %get3A_1] : memref<8x16x8192xf32, #tpu.memory_space<vmem>>, vector<8x16x8192xf32>
    %abs3A = math.absf %get3A_2 : vector<8x16x8192xf32>
    %reduce_min3A = vector.shape_cast %abs3A : vector<8x16x8192xf32> to vector<1x8x16x8192xf32>
    %reduce_min3A_3 = arith.constant dense<0x7F800000> : vector<1xf32>
    %reduce_min3A_4 = vector.multi_reduction <minimumf>, %reduce_min3A, %reduce_min3A_3 [1, 2, 3] : vector<1x8x16x8192xf32> to vector<1xf32>
    %reduce_min3A_5 = vector.shape_cast %reduce_min3A_4 : vector<1xf32> to vector<1x1x1x1xf32>
    %reduce_min3A_6 = vector.extract %reduce_min3A_5[0, 0, 0, 0] : f32 from vector<1x1x1x1xf32>
    %broadcast_in_dim3A = vector.broadcast %reduce_min3A_6 : f32 to vector<1x1xf32>
    %eq3A = arith.constant 0 : i32
    %eq3A_7 = arith.cmpi eq, %arg0, %eq3A : i32
    %convert_element_type3A = arith.extui %eq3A_7 : i1 to i32
    %cond3A = arith.constant 0 : i32
    %cond3A_8 = arith.cmpi ne, %convert_element_type3A, %cond3A : i32
    scf.if %cond3A_8 {
      %swap3A = arith.constant 0 : index
      %swap3A_13 = arith.constant 0 : index
      %swap3A_14 = vector.load %arg2[%swap3A, %swap3A_13] : memref<1x1xf32, #tpu.memory_space<vmem>>, vector<1x1xf32>
      tpu.vector_store %arg2[%swap3A, %swap3A_13], %broadcast_in_dim3A {strides = array<i32>} : memref<1x1xf32, #tpu.memory_space<vmem>>, vector<1x1xf32>,
    } else {
    }
    %ne3A = arith.constant 0 : i32
    %ne3A_9 = arith.cmpi ne, %arg0, %ne3A : i32
    %convert_element_type3A_10 = arith.extui %ne3A_9 : i1 to i32
    %cond3A_11 = arith.constant 0 : i32
    %cond3A_12 = arith.cmpi ne, %convert_element_type3A_10, %cond3A_11 : i32
    scf.if %cond3A_12 {
      %get3A_13 = arith.constant 0 : index
      %get3A_14 = arith.constant 0 : index
      %get3A_15 = vector.load %arg2[%get3A_13, %get3A_14] : memref<1x1xf32, #tpu.memory_space<vmem>>, vector<1x1xf32>
      %min3A = arith.minimumf %get3A_15, %broadcast_in_dim3A : vector<1x1xf32>
      %swap3A = arith.constant 0 : index
      %swap3A_16 = arith.constant 0 : index
      %swap3A_17 = vector.load %arg2[%swap3A, %swap3A_16] : memref<1x1xf32, #tpu.memory_space<vmem>>, vector<1x1xf32>
      tpu.vector_store %arg2[%swap3A, %swap3A_16], %min3A {strides = array<i32>} : memref<1x1xf32, #tpu.memory_space<vmem>>, vector<1x1xf32>,
    } else {
    }
    return
  }
  func.func @transform_0(%arg0: i32) -> (i32, i32, i32) {
    %c0_i32 = arith.constant 0 : i32
    %c0_i32_0 = arith.constant 0 : i32
    %c0_i32_1 = arith.constant 0 : i32
    return %arg0, %c0_i32, %c0_i32_0 : i32, i32, i32
  }
  func.func @transform_1(%arg0: i32) -> (i32, i32) {
    %c0_i32 = arith.constant 0 : i32
    %c0_i32_0 = arith.constant 0 : i32
    %c0_i32_1 = arith.constant 0 : i32
    return %c0_i32, %c0_i32_0 : i32, i32
  }
}

module attributes {stable_mosaic.version = 14 : i64} {
  func.func @_select_kernel(%arg0: i32, %arg1: memref<8x16x8192xf32, #tpu.memory_space<vmem>>, %arg2: memref<8x1x8192xf32, #tpu.memory_space<vmem>>, %arg3: memref<1x1xf32, #tpu.memory_space<vmem>>, %arg4: memref<8x1x8192xf32, #tpu.memory_space<vmem>>) attributes {dimension_semantics = [#tpu.dimension_semantics<arbitrary>], iteration_bounds = array<i64: 4>, scalar_prefetch = 0 : i64, scratch_operands = 0 : i64, tpu.core_type = #tpu.core_type<tc>, window_params = [{transform_indices = @transform_0, window_bounds = array<i64: 8, 16, 8192>}, {transform_indices = @transform_1, window_bounds = array<i64: 8, 1, 8192>}, {pipeline_mode = #tpu.pipeline_mode<synchronous>, transform_indices = @transform_2, window_bounds = array<i64: 1, 1>}, {transform_indices = @transform_3, window_bounds = array<i64: 8, 1, 8192>}]} {
    %get3A = arith.constant 0 : index
    %get3A_0 = arith.constant 0 : index
    %get3A_1 = arith.constant 0 : index
    %get3A_2 = vector.load %arg1[%get3A, %get3A_0, %get3A_1] : memref<8x16x8192xf32, #tpu.memory_space<vmem>>, vector<8x16x8192xf32>
    %get3A_3 = arith.constant 0 : index
    %get3A_4 = arith.constant 0 : index
    %get3A_5 = arith.constant 0 : index
    %get3A_6 = vector.load %arg2[%get3A_3, %get3A_4, %get3A_5] : memref<8x1x8192xf32, #tpu.memory_space<vmem>>, vector<8x1x8192xf32>
    %get3A_7 = arith.constant 0 : index
    %get3A_8 = arith.constant 0 : index
    %get3A_9 = vector.load %arg3[%get3A_7, %get3A_8] : memref<1x1xf32, #tpu.memory_space<vmem>>, vector<1x1xf32>
    %add3A = arith.constant 1.000000e-10 : f32
    %add3A_10 = vector.broadcast %add3A : f32 to vector<1x1xf32>
    %add3A_11 = arith.addf %get3A_9, %add3A_10 : vector<1x1xf32>
    %broadcast_in_dim3A = vector.shape_cast %add3A_11 : vector<1x1xf32> to vector<1x1x1xf32>
    %add3A_12 = vector.broadcast %broadcast_in_dim3A : vector<1x1x1xf32> to vector<8x16x8192xf32>
    %add3A_13 = arith.addf %get3A_2, %add3A_12 : vector<8x16x8192xf32>
    %mul3A = vector.broadcast %get3A_6 : vector<8x1x8192xf32> to vector<8x16x8192xf32>
    %mul3A_14 = arith.mulf %add3A_13, %mul3A : vector<8x16x8192xf32>
    %bitcast_convert_type3A = tpu.bitcast %mul3A_14 : vector<8x16x8192xf32> -> vector<8x16x8192xi32>
    %lt3A = arith.constant 0 : i32
    %lt3A_15 = vector.broadcast %lt3A : i32 to vector<8x16x8192xi32>
    %lt3A_16 = arith.cmpi slt, %bitcast_convert_type3A, %lt3A_15 : vector<8x16x8192xi32>
    %xor3A = arith.constant 2147483647 : i32
    %xor3A_17 = vector.broadcast %xor3A : i32 to vector<8x16x8192xi32>
    %xor3A_18 = arith.xori %bitcast_convert_type3A, %xor3A_17 : vector<8x16x8192xi32>
    %select_n3A = arith.select %lt3A_16, %xor3A_18, %bitcast_convert_type3A : vector<8x16x8192xi1>, vector<8x16x8192xi32>
    %broadcast_in_dim3A_19 = arith.constant 0 : i32
    %broadcast_in_dim3A_20 = vector.broadcast %broadcast_in_dim3A_19 : i32 to vector<8x16x1xi32>
    %broadcast_in_dim3A_21 = arith.constant 8192 : i32
    %broadcast_in_dim3A_22 = vector.broadcast %broadcast_in_dim3A_21 : i32 to vector<8x16x1xi32>
    %while3A = arith.constant 0 : i32
    %while3A_23:3 = scf.while (%while3A_45 = %while3A, %while3A_46 = %broadcast_in_dim3A_20, %while3A_47 = %broadcast_in_dim3A_22) : (i32, vector<8x16x1xi32>, vector<8x16x1xi32>) -> (i32, vector<8x16x1xi32>, vector<8x16x1xi32>) {
      %lt3A_48 = arith.constant 32 : i32
      %lt3A_49 = arith.cmpi slt, %while3A_45, %lt3A_48 : i32
      %eq3A_50 = arith.constant 1024 : i32
      %eq3A_51 = vector.broadcast %eq3A_50 : i32 to vector<8x16x1xi32>
      %eq3A_52 = arith.cmpi eq, %while3A_47, %eq3A_51 : vector<8x16x1xi32>
      %reduce_and3A_53 = arith.constant 1.000000e+00 : f32
      %reduce_and3A_54 = arith.constant 0.000000e+00 : f32
      %reduce_and3A_55 = vector.broadcast %reduce_and3A_53 : f32 to vector<8x16x1xf32>
      %reduce_and3A_56 = vector.broadcast %reduce_and3A_54 : f32 to vector<8x16x1xf32>
      %reduce_and3A_57 = arith.select %eq3A_52, %reduce_and3A_55, %reduce_and3A_56 : vector<8x16x1xi1>, vector<8x16x1xf32>
      %reduce_and3A_58 = vector.shape_cast %reduce_and3A_57 : vector<8x16x1xf32> to vector<1x8x16x1xf32>
      %reduce_and3A_59 = arith.constant dense<0x7F800000> : vector<1xf32>
      %reduce_and3A_60 = vector.multi_reduction <minimumf>, %reduce_and3A_58, %reduce_and3A_59 [1, 2, 3] : vector<1x8x16x1xf32> to vector<1xf32>
      %reduce_and3A_61 = vector.shape_cast %reduce_and3A_60 : vector<1xf32> to vector<1x1x1x1xf32>
      %reduce_and3A_62 = vector.extract %reduce_and3A_61[0, 0, 0, 0] : f32 from vector<1x1x1x1xf32>
      %reduce_and3A_63 = arith.constant 0.000000e+00 : f32
      %reduce_and3A_64 = arith.cmpf ogt, %reduce_and3A_62, %reduce_and3A_63 : f32
      %not3A_65 = arith.constant true
      %not3A_66 = arith.xori %reduce_and3A_64, %not3A_65 : i1
      %and3A = arith.andi %lt3A_49, %not3A_66 : i1
      scf.condition(%and3A) %while3A_45, %while3A_46, %while3A_47 : i32, vector<8x16x1xi32>, vector<8x16x1xi32>
    } do {
    ^bb0(%while3A_45: i32, %while3A_46: vector<8x16x1xi32>, %while3A_47: vector<8x16x1xi32>):
      %sub3A = arith.constant 31 : i32
      %sub3A_48 = arith.subi %sub3A, %while3A_45 : i32
      %shift_left3A = arith.constant 1 : i32
      %shift_left3A_49 = arith.shli %shift_left3A, %sub3A_48 : i32
      %or3A = vector.broadcast %shift_left3A_49 : i32 to vector<8x16x1xi32>
      %or3A_50 = arith.ori %while3A_46, %or3A : vector<8x16x1xi32>
      %xor3A_51 = arith.constant -2147483648 : i32
      %xor3A_52 = vector.broadcast %xor3A_51 : i32 to vector<8x16x1xi32>
      %xor3A_53 = arith.xori %or3A_50, %xor3A_52 : vector<8x16x1xi32>
      %ge3A = vector.broadcast %xor3A_53 : vector<8x16x1xi32> to vector<8x16x8192xi32>
      %ge3A_54 = arith.cmpi sge, %select_n3A, %ge3A : vector<8x16x8192xi32>
      %convert_element_type3A_55 = arith.extui %ge3A_54 : vector<8x16x8192xi1> to vector<8x16x8192xi32>
      %reduce_sum3A = arith.constant dense<0> : vector<8x16xi32>
      %reduce_sum3A_56 = vector.multi_reduction <add>, %convert_element_type3A_55, %reduce_sum3A [2] : vector<8x16x8192xi32> to vector<8x16xi32>
      %broadcast_in_dim3A_57 = vector.shape_cast %reduce_sum3A_56 : vector<8x16xi32> to vector<8x16x1xi32>
      %ge3A_58 = arith.constant 1024 : i32
      %ge3A_59 = vector.broadcast %ge3A_58 : i32 to vector<8x16x1xi32>
      %ge3A_60 = arith.cmpi sge, %broadcast_in_dim3A_57, %ge3A_59 : vector<8x16x1xi32>
      %add3A_61 = arith.constant 1 : i32
      %add3A_62 = arith.addi %while3A_45, %add3A_61 : i32
      %select_n3A_63 = arith.select %ge3A_60, %or3A_50, %while3A_46 : vector<8x16x1xi1>, vector<8x16x1xi32>
      %select_n3A_64 = arith.select %ge3A_60, %broadcast_in_dim3A_57, %while3A_47 : vector<8x16x1xi1>, vector<8x16x1xi32>
      scf.yield %add3A_62, %select_n3A_63, %select_n3A_64 : i32, vector<8x16x1xi32>, vector<8x16x1xi32>
    }
    %xor3A_24 = arith.constant -2147483648 : i32
    %xor3A_25 = vector.broadcast %xor3A_24 : i32 to vector<8x16x1xi32>
    %xor3A_26 = arith.xori %while3A_23#1, %xor3A_25 : vector<8x16x1xi32>
    %eq3A = arith.constant 1024 : i32
    %eq3A_27 = vector.broadcast %eq3A : i32 to vector<8x16x1xi32>
    %eq3A_28 = arith.cmpi eq, %while3A_23#2, %eq3A_27 : vector<8x16x1xi32>
    %reduce_and3A = arith.constant 1.000000e+00 : f32
    %reduce_and3A_29 = arith.constant 0.000000e+00 : f32
    %reduce_and3A_30 = vector.broadcast %reduce_and3A : f32 to vector<8x16x1xf32>
    %reduce_and3A_31 = vector.broadcast %reduce_and3A_29 : f32 to vector<8x16x1xf32>
    %reduce_and3A_32 = arith.select %eq3A_28, %reduce_and3A_30, %reduce_and3A_31 : vector<8x16x1xi1>, vector<8x16x1xf32>
    %reduce_and3A_33 = vector.shape_cast %reduce_and3A_32 : vector<8x16x1xf32> to vector<1x8x16x1xf32>
    %reduce_and3A_34 = arith.constant dense<0x7F800000> : vector<1xf32>
    %reduce_and3A_35 = vector.multi_reduction <minimumf>, %reduce_and3A_33, %reduce_and3A_34 [1, 2, 3] : vector<1x8x16x1xf32> to vector<1xf32>
    %reduce_and3A_36 = vector.shape_cast %reduce_and3A_35 : vector<1xf32> to vector<1x1x1x1xf32>
    %reduce_and3A_37 = vector.extract %reduce_and3A_36[0, 0, 0, 0] : f32 from vector<1x1x1x1xf32>
    %reduce_and3A_38 = arith.constant 0.000000e+00 : f32
    %reduce_and3A_39 = arith.cmpf ogt, %reduce_and3A_37, %reduce_and3A_38 : f32
    %convert_element_type3A = arith.extui %reduce_and3A_39 : i1 to i32
    %cond3A = arith.constant 0 : i32
    %cond3A_40 = arith.cmpi ne, %convert_element_type3A, %cond3A : i32
    scf.if %cond3A_40 {
      %ge3A = vector.broadcast %xor3A_26 : vector<8x16x1xi32> to vector<8x16x8192xi32>
      %ge3A_45 = arith.cmpi sge, %select_n3A, %ge3A : vector<8x16x8192xi32>
      %convert_element_type3A_46 = arith.extui %ge3A_45 : vector<8x16x8192xi1> to vector<8x16x8192xi32>
      %convert_element_type3A_47 = arith.sitofp %convert_element_type3A_46 : vector<8x16x8192xi32> to vector<8x16x8192xf32>
      %reduce_max3A = arith.constant dense<0xFF800000> : vector<8x8192xf32>
      %reduce_max3A_48 = vector.multi_reduction <maximumf>, %convert_element_type3A_47, %reduce_max3A [1] : vector<8x16x8192xf32> to vector<8x8192xf32>
      %broadcast_in_dim3A_49 = vector.shape_cast %reduce_max3A_48 : vector<8x8192xf32> to vector<8x1x8192xf32>
      %swap3A = arith.constant 0 : index
      %swap3A_50 = arith.constant 0 : index
      %swap3A_51 = arith.constant 0 : index
      %swap3A_52 = vector.load %arg4[%swap3A, %swap3A_50, %swap3A_51] : memref<8x1x8192xf32, #tpu.memory_space<vmem>>, vector<8x1x8192xf32>
      tpu.vector_store %arg4[%swap3A, %swap3A_50, %swap3A_51], %broadcast_in_dim3A_49 {strides = array<i32>} : memref<8x1x8192xf32, #tpu.memory_space<vmem>>, vector<8x1x8192xf32>,
    } else {
    }
    %not3A = arith.constant true
    %not3A_41 = arith.xori %reduce_and3A_39, %not3A : i1
    %convert_element_type3A_42 = arith.extui %not3A_41 : i1 to i32
    %cond3A_43 = arith.constant 0 : i32
    %cond3A_44 = arith.cmpi ne, %convert_element_type3A_42, %cond3A_43 : i32
    scf.if %cond3A_44 {
      %gt3A = vector.broadcast %xor3A_26 : vector<8x16x1xi32> to vector<8x16x8192xi32>
      %gt3A_45 = arith.cmpi sgt, %select_n3A, %gt3A : vector<8x16x8192xi32>
      %eq3A_46 = vector.broadcast %xor3A_26 : vector<8x16x1xi32> to vector<8x16x8192xi32>
      %eq3A_47 = arith.cmpi eq, %select_n3A, %eq3A_46 : vector<8x16x8192xi32>
      %iota3A = tpu.iota {dimensions = array<i32: 2>} : vector<8x16x8192xi32>
      %jit3A = arith.constant 8192 : i32
      %broadcast_in_dim3A_48 = vector.broadcast %jit3A : i32 to vector<8x16x8192xi32>
      %select_n3A_49 = arith.select %eq3A_47, %iota3A, %broadcast_in_dim3A_48 : vector<8x16x8192xi1>, vector<8x16x8192xi32>
      %convert_element_type3A_50 = arith.extui %gt3A_45 : vector<8x16x8192xi1> to vector<8x16x8192xi32>
      %reduce_sum3A = arith.constant dense<0> : vector<8x16xi32>
      %reduce_sum3A_51 = vector.multi_reduction <add>, %convert_element_type3A_50, %reduce_sum3A [2] : vector<8x16x8192xi32> to vector<8x16xi32>
      %broadcast_in_dim3A_52 = vector.shape_cast %reduce_sum3A_51 : vector<8x16xi32> to vector<8x16x1xi32>
      %broadcast_in_dim3A_53 = arith.constant 0 : i32
      %broadcast_in_dim3A_54 = vector.broadcast %broadcast_in_dim3A_53 : i32 to vector<8x16x1xi32>
      %scan3A = arith.constant 0 : i32
      %scan3A_55 = arith.constant 13 : i32
      %scan3A_56 = arith.addi %scan3A, %scan3A_55 : i32
      %scan3A_57 = arith.constant 1 : i32
      %scan3A_58 = scf.for %scan3A_80 = %scan3A to %scan3A_56 step %scan3A_57 iter_args(%scan3A_81 = %broadcast_in_dim3A_54) -> (vector<8x16x1xi32>)  : i32 {
        %sub3A = arith.constant 12 : i32
        %sub3A_82 = arith.subi %sub3A, %scan3A_80 : i32
        %shift_left3A = arith.constant 1 : i32
        %shift_left3A_83 = arith.shli %shift_left3A, %sub3A_82 : i32
        %or3A_84 = vector.broadcast %shift_left3A_83 : i32 to vector<8x16x1xi32>
        %or3A_85 = arith.ori %scan3A_81, %or3A_84 : vector<8x16x1xi32>
        %le3A_86 = vector.broadcast %or3A_85 : vector<8x16x1xi32> to vector<8x16x8192xi32>
        %le3A_87 = arith.cmpi sle, %select_n3A_49, %le3A_86 : vector<8x16x8192xi32>
        %convert_element_type3A_88 = arith.extui %le3A_87 : vector<8x16x8192xi1> to vector<8x16x8192xi32>
        %reduce_sum3A_89 = arith.constant dense<0> : vector<8x16xi32>
        %reduce_sum3A_90 = vector.multi_reduction <add>, %convert_element_type3A_88, %reduce_sum3A_89 [2] : vector<8x16x8192xi32> to vector<8x16xi32>
        %broadcast_in_dim3A_91 = vector.shape_cast %reduce_sum3A_90 : vector<8x16xi32> to vector<8x16x1xi32>
        %add3A_92 = arith.addi %broadcast_in_dim3A_52, %broadcast_in_dim3A_91 : vector<8x16x1xi32>
        %lt3A_93 = arith.constant 1024 : i32
        %lt3A_94 = vector.broadcast %lt3A_93 : i32 to vector<8x16x1xi32>
        %lt3A_95 = arith.cmpi slt, %add3A_92, %lt3A_94 : vector<8x16x1xi32>
        %select_n3A_96 = arith.select %lt3A_95, %or3A_85, %scan3A_81 : vector<8x16x1xi1>, vector<8x16x1xi32>
        scf.yield %select_n3A_96 : vector<8x16x1xi32>
      }
      %scan3A_59 = arith.constant 13 : i32
      %le3A = vector.broadcast %scan3A_58 : vector<8x16x1xi32> to vector<8x16x8192xi32>
      %le3A_60 = arith.cmpi sle, %select_n3A_49, %le3A : vector<8x16x8192xi32>
      %convert_element_type3A_61 = arith.extui %le3A_60 : vector<8x16x8192xi1> to vector<8x16x8192xi32>
      %reduce_sum3A_62 = arith.constant dense<0> : vector<8x16xi32>
      %reduce_sum3A_63 = vector.multi_reduction <add>, %convert_element_type3A_61, %reduce_sum3A_62 [2] : vector<8x16x8192xi32> to vector<8x16xi32>
      %broadcast_in_dim3A_64 = vector.shape_cast %reduce_sum3A_63 : vector<8x16xi32> to vector<8x16x1xi32>
      %add3A_65 = arith.addi %broadcast_in_dim3A_52, %broadcast_in_dim3A_64 : vector<8x16x1xi32>
      %lt3A_66 = arith.constant 1024 : i32
      %lt3A_67 = vector.broadcast %lt3A_66 : i32 to vector<8x16x1xi32>
      %lt3A_68 = arith.cmpi slt, %add3A_65, %lt3A_67 : vector<8x16x1xi32>
      %convert_element_type3A_69 = arith.extui %lt3A_68 : vector<8x16x1xi1> to vector<8x16x1xi32>
      %add3A_70 = arith.addi %scan3A_58, %convert_element_type3A_69 : vector<8x16x1xi32>
      %le3A_71 = vector.broadcast %add3A_70 : vector<8x16x1xi32> to vector<8x16x8192xi32>
      %le3A_72 = arith.cmpi sle, %select_n3A_49, %le3A_71 : vector<8x16x8192xi32>
      %or3A = arith.ori %gt3A_45, %le3A_72 : vector<8x16x8192xi1>
      %convert_element_type3A_73 = arith.extui %or3A : vector<8x16x8192xi1> to vector<8x16x8192xi32>
      %convert_element_type3A_74 = arith.sitofp %convert_element_type3A_73 : vector<8x16x8192xi32> to vector<8x16x8192xf32>
      %reduce_max3A = arith.constant dense<0xFF800000> : vector<8x8192xf32>
      %reduce_max3A_75 = vector.multi_reduction <maximumf>, %convert_element_type3A_74, %reduce_max3A [1] : vector<8x16x8192xf32> to vector<8x8192xf32>
      %broadcast_in_dim3A_76 = vector.shape_cast %reduce_max3A_75 : vector<8x8192xf32> to vector<8x1x8192xf32>
      %swap3A = arith.constant 0 : index
      %swap3A_77 = arith.constant 0 : index
      %swap3A_78 = arith.constant 0 : index
      %swap3A_79 = vector.load %arg4[%swap3A, %swap3A_77, %swap3A_78] : memref<8x1x8192xf32, #tpu.memory_space<vmem>>, vector<8x1x8192xf32>
      tpu.vector_store %arg4[%swap3A, %swap3A_77, %swap3A_78], %broadcast_in_dim3A_76 {strides = array<i32>} : memref<8x1x8192xf32, #tpu.memory_space<vmem>>, vector<8x1x8192xf32>,
    } else {
    }
    return
  }
  func.func @transform_0(%arg0: i32) -> (i32, i32, i32) {
    %c0_i32 = arith.constant 0 : i32
    %c0_i32_0 = arith.constant 0 : i32
    %c0_i32_1 = arith.constant 0 : i32
    return %arg0, %c0_i32, %c0_i32_0 : i32, i32, i32
  }
  func.func @transform_1(%arg0: i32) -> (i32, i32, i32) {
    %c0_i32 = arith.constant 0 : i32
    %c0_i32_0 = arith.constant 0 : i32
    %c0_i32_1 = arith.constant 0 : i32
    return %arg0, %c0_i32, %c0_i32_0 : i32, i32, i32
  }
  func.func @transform_2(%arg0: i32) -> (i32, i32) {
    %c0_i32 = arith.constant 0 : i32
    %c0_i32_0 = arith.constant 0 : i32
    %c0_i32_1 = arith.constant 0 : i32
    return %c0_i32, %c0_i32_0 : i32, i32
  }
  func.func @transform_3(%arg0: i32) -> (i32, i32, i32) {
    %c0_i32 = arith.constant 0 : i32
    %c0_i32_0 = arith.constant 0 : i32
    %c0_i32_1 = arith.constant 0 : i32
    return %arg0, %c0_i32, %c0_i32_0 : i32, i32, i32
  }
}

</mosaic_0001>

<sc_bundles>
// kernel: kernel.5.cloned.1.call-start
scs
__scs_entry_jumppad:
0x0: {  	(pc) =	sbr.rel $0x88, $3  }
0x1: {  	(tag) =	ssettag $0x0;
	lr =	simm.s32 $0x1  }
0x2: {  	[smem:$0x3F9F] =	sst lr;
	_ =	strace $0xD0000000  }
0x3: {  	_ = 	snop  }
0x4: {  	_ = 	snop  }
0x5: {  	_ = 	snop  }
0x6: {  	_ = 	snop  }
0x7: {  	_ = 	snop  }
__scs_overlays_trampoline_lowered:
0x8: {  	[smem:$0x3FAE] =	sst s0  }
0x9: {  	[smem:$0x3FAF] =	sst s1  }
0xa: {  	[smem:$0x3FB0] =	sst s2  }
0xb: {  	[smem:$0x3FB1] =	sst s3  }
0xc: {  	[smem:$0x3FB2] =	sst s4  }
0xd: {  	[smem:$0x3FB3] =	sst s5  }
0xe: {  	[smem:$0x3FB4] =	sst s6  }
0xf: {  	[smem:$0x3FB5] =	sst s7  }
0x10: {  	[smem:$0x3FB6] =	sst s8  }
0x11: {  	[smem:$0x3FB7] =	sst s9;
	s0 =	simm.s32 @!p0 $0x0  }
0x12: {  	s1 =	sld [smem:$0x3F9D];
	s0 =	simm.s32 @p0 $0x1  }
0x13: {  	[smem:$0x3FB8] =	sst s0;
	s0 =	simm.s32 @!p1 $0x0  }
0x14: {  	s2 =	sld [smem:$0x3F9C];
	s0 =	simm.s32 @p1 $0x1  }
0x15: {  	[smem:$0x3FB9] =	sst s0;
	s0 =	simm.s32 @!p2 $0x0  }
0x16: {  	s3 =	sld [smem:$0x3FDB];
	s0 =	simm.s32 @p2 $0x1  }
0x17: {  	s4 =	simm.s32 $0x1BF5;
	[smem:$0x3FBB] =	sst s0  }
0x18: {  	s0 =	sld [smem:$0x3F9E];
	_ =	swait.ge [sflag:s4], $0x0  }
0x19: {  	s7 =	sld [smem:$0x3F9F]  }
0x1a: {  	s8 =	sadd.s32 $0xFFFFE003, lr  }
0x1b: {  	s9 =	sadd.s32 $0xFFFFFEF7, lr;
	s5 =	simm.s32 $0xFFFFFFFF;
	p2 =	slt.u32 s8, $0xFFFFF086  }
0x1c: {  	p1 =	slt.u32 s9, $0xF7A;
	s5 =	simm.s32 @!p2 $0x0  }
0x1d: {  	s5 =	simm.s32 @p1 $0x1;
	p0 =	seq.s32 s7, s2  }
0x1e: {  	s7 =	smul.u32 @!p0 $0xF7A, s2;
	p2 =	seq.s32 @!p0 s5, $0x0  }
0x1f: {  	s9 =	smul.u32 $0xF7A, s1;
	s8 =	simm.s32 @!p0 $0x1BF5;
	p2 =	por !p2, p0  }
0x20: {  	[sflag:s8] =	ssyncset.s32 @!p0 $0xFFFFF086;
	s6 =	sadd.s32 @!p0 s3, s7;
	s7 =	simm.s32 @!p0 $0x108  }
0x21: {  	s3 =	sadd.s32 s3, s9;
	s6 =	sadd.s32 @!p0 $0x88, s6;
	s7 =	simm.s32 @p2 $0x1082  }
0x22: {  	[simem:s7], [sflag:s8] =	dma.local @!p0 [hbm:s6], $0xF7A  }
0x23: {  	s9 =	sor.u32 $0xD0000000, s2;
	s6 =	simm.s32 $0x108;
	_ =	swait.ge @!p0 [sflag:s8], $0x0  }
0x24: {  	s3 =	sadd.s32 $0x88, s3;
	s6 =	simm.s32 @!p1 $0x1082;
	[sflag:s4] =	ssyncset.s32 $0xFFFFF086  }
0x25: {  	[simem:s6], [sflag:s4] =	dma.local [hbm:s3], $0xF7A  }
0x26: {  	[smem:$0x3F9F] =	sst s1;
	(tag) =	ssettag s2;
	_ =	strace s9  }
0x27: {  	s1 =	sld [smem:$0x3FAF]  }
0x28: {  	s2 =	sld [smem:$0x3FB0]  }
0x29: {  	s4 =	sld [smem:$0x3FB2]  }
0x2a: {  	p0 =	seq.s32 s5, $0x0;
	s5 =	sld [smem:$0x3FB3]  }
0x2b: {  	s6 =	sld [smem:$0x3FB4]  }
0x2c: {  	s7 =	sld [smem:$0x3FB5]  }
0x2d: {  	s3 =	simm.s32 $0x108;
	s8 =	sld [smem:$0x3FB6]  }
0x2e: {  	s3 =	simm.s32 @!p0 $0x1082;
	s9 =	sld [smem:$0x3FB7]  }
0x2f: {  	lr =	sadd.s32 s0, s3;
	s0 =	sld [smem:$0x3FAE]  }
0x30: {  	s3 =	sld [smem:$0x3FB1]  }
0x31: {  	[smem:$0x3FBA] =	sst s10  }
0x32: {  	s10 =	sld [smem:$0x3FB8];
	_ =	sdelay $0x3  }
0x33: {  	p0 =	seq.s32 s10, $0x1;
	s10 =	sld [smem:$0x3FBA];
	_ =	sdelay $0x3  }
0x34: {  	[smem:$0x3FBA] =	sst s10  }
0x35: {  	s10 =	sld [smem:$0x3FB9];
	_ =	sdelay $0x3  }
0x36: {  	p1 =	seq.s32 s10, $0x1;
	s10 =	sld [smem:$0x3FBA];
	_ =	sdelay $0x3  }
0x37: {  	[smem:$0x3FBA] =	sst s10  }
0x38: {  	s10 =	sld [smem:$0x3FBB]  }
0x39: {  	_ = 	snop;
	(pc) =	sbr.ind lr, $3  }
0x3a: {  	_ = 	snop  }
0x3b: {  	_ = 	snop  }
0x3c: {  	p2 =	seq.s32 s10, $0x1;
	s10 =	sld [smem:$0x3FBA]  }
0x3d: {  	_ =	shalt  }
0x3e: {  	_ =	shalt  }
0x3f: {  	_ =	shalt  }
0x40: {  	_ =	shalt  }
0x41: {  	_ =	shalt  }
0x42: {  	_ =	shalt  }
0x43: {  	_ =	shalt  }
0x44: {  	_ =	shalt  }
0x45: {  	_ =	shalt  }
0x46: {  	_ =	shalt  }
0x47: {  	_ =	shalt  }
0x48: {  	_ =	shalt  }
0x49: {  	_ =	shalt  }
0x4a: {  	_ =	shalt  }
0x4b: {  	_ =	shalt  }
0x4c: {  	_ =	shalt  }
0x4d: {  	_ =	shalt  }
0x4e: {  	_ =	shalt  }
0x4f: {  	_ =	shalt  }
0x50: {  	_ =	shalt  }
0x51: {  	_ =	shalt  }
0x52: {  	_ =	shalt  }
0x53: {  	_ =	shalt  }
0x54: {  	_ =	shalt  }
0x55: {  	_ =	shalt  }
0x56: {  	_ =	shalt  }
0x57: {  	_ =	shalt  }
0x58: {  	_ =	shalt  }
0x59: {  	_ =	shalt  }
0x5a: {  	_ =	shalt  }
0x5b: {  	_ =	shalt  }
0x5c: {  	_ =	shalt  }
0x5d: {  	_ =	shalt  }
0x5e: {  	_ =	shalt  }
0x5f: {  	_ =	shalt  }
0x60: {  	_ =	shalt  }
0x61: {  	_ =	shalt  }
0x62: {  	_ =	shalt  }
0x63: {  	_ =	shalt  }
0x64: {  	_ =	shalt  }
0x65: {  	_ =	shalt  }
0x66: {  	_ =	shalt  }
0x67: {  	_ =	shalt  }
0x68: {  	_ =	shalt  }
0x69: {  	_ =	shalt  }
0x6a: {  	_ =	shalt  }
0x6b: {  	_ =	shalt  }
0x6c: {  	_ =	shalt  }
0x6d: {  	_ =	shalt  }
0x6e: {  	_ =	shalt  }
0x6f: {  	_ =	shalt  }
0x70: {  	_ =	shalt  }
0x71: {  	_ =	shalt  }
0x72: {  	_ =	shalt  }
0x73: {  	_ =	shalt  }
0x74: {  	_ =	shalt  }
0x75: {  	_ =	shalt  }
0x76: {  	_ =	shalt  }
0x77: {  	_ =	shalt  }
0x78: {  	_ =	shalt  }
0x79: {  	_ =	shalt  }
0x7a: {  	_ =	shalt  }
0x7b: {  	_ =	shalt  }
0x7c: {  	_ =	shalt  }
0x7d: {  	_ =	shalt  }
0x7e: {  	_ =	shalt  }
0x7f: {  	_ =	shalt  }
0x80: {  	_ =	shalt  }
0x81: {  	_ =	shalt  }
0x82: {  	_ =	shalt  }
0x83: {  	_ =	shalt  }
0x84: {  	_ =	shalt  }
0x85: {  	_ =	shalt  }
0x86: {  	_ =	shalt  }
0x87: {  	_ =	shalt  }
.Lfunc_end0:
.L_simem_size_0:
called_computation_lowered:
.L_overlay_start_0:
0x88: {  	s2 =	sld [smem:$0x3FD9]  }
0x89: {  	s3 =	sld [smem:$0x3FFE];
	_ =	sdelay $0x1  }
0x8a: {  	s1 =	srdreg.scid  }
0x8b: {  	s0 =	sand.u32 $0x1, s1  }
0x8c: {  	s14 =	sshll.u32 s0, $0xA;
	s2 =	sadd.s32 s3, s2  }
0x8d: {  	s2 =	sadd.s32 s2, s14  }
0x8e: {  	[smem:$0x3FC6] =	sst s2  }
0x8f: {  	_ = 	snop  }
0x90: {  	s2 =	sld [smem:$0x3FD0];
	_ =	sdelay $0x2  }
0x91: {  	s15 =	simm.s32 $0xA;
	s4 =	simm.s32 $0x10  }
0x92: {  	[smem:s4], [sflag:s15] =	dma.local [hbm:s2], $0x1  }
0x93: {  	_ =	swait.eq [sflag:s15], $0x1  }
0x94: {  	[sflag:s15] =	ssyncset.done $0x0  }
0x95: {  	s16 =	sld [smem:$0x10];
	[sflag:s15] =	ssyncadd.s32 $0xFFFFFFFF  }
0x96: {  	s17 =	sld [smem:$0x11];
	(tm) =	ssettm $0x1  }
0x97: {  	s18 =	sld [smem:$0x3FFB];
	_ =	sdelay $0x3  }
0x98: {  	_ =	strace s18  }
0x99: {  	s4 =	sld [smem:$0x3FFC];
	_ =	sdelay $0x3  }
0x9a: {  	_ =	strace s4  }
0x9b: {  	s4 =	sld [smem:$0x3FFD];
	_ =	sdelay $0x3  }
0x9c: {  	_ =	strace s4  }
0x9d: {  	_ =	strace $0x8FFFFFFF  }
0x9e: {  	s19 =	sld [smem:$0x3FDB];
	_ =	sdelay $0x1  }
0x9f: {  	s5 =	simm.s32 $_scs_section_size  }
0xa0: {  	s6 =	simm.s32 $_size__tile_overlayer_lowered;
	s7 =	simm.s32 $_tile_overlayer_lowered  }
0xa1: {  	s22 =	simm.s32 $0x1BFF;
	s21 =	sshll.u32 s7, $0x1;
	s4 =	sadd.s32 s5, s19  }
0xa2: {  	s8 =	simm.s32 $0x0;
	s20 =	sshll.u32 s6, $0x1;
	s6 =	sadd.s32 s21, s4  }
0xa3: {  	[timem:s8], [sflag:s22] =	dma.local [hbm:s6], s20  }
0xa4: {  	_ =	swait.ge [sflag:s22], s20  }
0xa5: {  	s5 =	ssub.s32 $0x0, s20;
	[sflag:s22] =	ssyncset.done $0x0  }
0xa6: {  	[sflag:s22] =	ssyncadd.s32 s5;
	_ =	sdelay $0x1  }
0xa7: {  	s23 =	simm.s32 $0x1B8B  }
0xa8: {  	_ =	swait.ge [sflag:s23], $0x1  }
0xa9: {  	[sflag:s23] =	ssyncset.done $0x0  }
0xaa: {  	s25 =	simm.s32 $0x1B8E;
	s24 =	sld [smem:$0x3FFE];
	[sflag:s23] =	ssyncadd.s32 $0xFFFFFFFF  }
0xab: {  	s26 =	simm.s32 $execute0_lowered;
	[smem:$0x3FD2] =	sst s25  }
0xac: {  	s6 =	sshll.u32 s26, $0x1;
	_ =	strace $0x80000046;
	[dreg:$0x1] =	wrdreg $0xFFFFFFFF  }
0xad: {  	s28 =	simm.s32 $_size_execute0_lowered;
	s4 =	sadd.s32 s4, s6;
	[dreg:$0x0] =	wrdreg $0x0  }
0xae: {  	s6 =	sshll.u32 s28, $0x1;
	[dreg:$0x2] =	wrdreg s4  }
0xaf: {  	[dreg:$0x3] =	wrdreg s6  }
0xb0: {  	[dreg:$0x4] =	wrdreg $0xC0  }
0xb1: {  	_ =	task [dreg:s8], $0x5FFFF  }
0xb2: {  	[dreg:$0x1] =	wrdreg $0xFFFFFFFF  }
0xb3: {  	[dreg:$0x0] =	wrdreg $0x60  }
0xb4: {  	[dreg:$0x2] =	wrdreg s17  }
0xb5: {  	[dreg:$0x3] =	wrdreg s16  }
0xb6: {  	[dreg:$0x4] =	wrdreg s24  }
0xb7: {  	[dreg:$0x5] =	wrdreg $0x9  }
0xb8: {  	_ =	task.clear_ibuf [dreg:s8], $0x6FFFF;
	_ =	strace $0x90000046  }
0xb9: {  	s29 =	simm.s32 $0x9;
	_ =	strace $0x80000048  }
0xba: {  	_ =	swait.ge [sflag:s29], $0x1  }
0xbb: {  	[sflag:s29] =	ssyncadd.s32 $0xFFFFFFFF  }
0xbc: {  	_ =	strace $0x90000048  }
0xbd: {  	_ =	sfence  }
0xbe: {  	s30 =	sld [smem:$0x0];
	_ =	sdelay $0x2  }
0xbf: {  	s31 =	sshll.u32 s1, $0xD;
	s1 =	sshrl.u32 s1, $0x2  }
0xc0: {  	s3 =	sand.u32 $0x4000, s31;
	s1 =	sadd.s32 s1, s30  }
0xc1: {  	s0 =	sor.u32 s3, s0;
	s1 =	sshll.u32 s1, $0x11  }
0xc2: {  	s0 =	sor.u32 s1, s0  }
0xc3: {  	s0 =	sadd.s32 $0x8F2B, s0  }
0xc4: {  	[sflag:s0] =	ssyncadd.remote.s32 $0x1  }
0xc5: {  	_ =	sfence.sel $0xFFFF  }
0xc6: {  	[dreg:$0x0] =	wrdreg $0xFFFFFFFF;
	(pc) =	sbr.abs _section_cstart, $3  }
0xc7: {  	[dreg:$0x1] =	wrdreg $0xFFFFFFFF  }
0xc8: {  	_ =	task.clear_ibuf [dreg:s8], $0x2FFFF;
	_ =	strace $0x9FFFFFFF  }
0xc9: {  	(tm) =	ssettm $0x7FFFFFFF  }
tec
execute0_lowered:
.L_overlay_start_1:
0x0: {  	(tag) =	ssettag $0x1  }
0x1: {  	s1 =	rddreg [dreg:$0x0]  }
0x2: {  	s6 =	rddreg [dreg:$0x1]  }
0x3: {  	s5 =	rddreg [dreg:$0x2]  }
0x4: {  	s0 =	rddreg [dreg:$0x3];
	s4 =	srdreg.scid  }
0x5: {  	s3 =	simm.s32 $0x0;
	s2 =	stileid.u32;
	v0 =	vimm.s32 $0x0;
	s10 =	simm.s32 $0x0  }
0x6: {  	v1 =	vimm.s32 $0x1;
	v2 =	vimm.s32 $0x2;
	v3 =	vimm.s32 $0x3;
	s4 =	sand.u32 $0x1, s4;
	s8 =	sshll.u32 s2, $0xE;
	[smem:$0x7FF] =	sst s3  }
0x7: {  	v4 =	vimm.s32 $0x4;
	v5 =	vimm.s32 $0x5;
	v6 =	vimm.s32 $0x6;
	s5 =	sadd.s32 $0x800, s5;
	s7 =	ssub.s32 $0x2, s4;
	s4 =	sshll.u32 s4, $0xD  }
0x8: {  	v7 =	vimm.s32 $0x7;
	v8 =	vimm.s32 $0x8;
	v9 =	vimm.s32 $0x9;
	_ =	strace $0x80000047;
	s9 =	sshrl.u32 s7, $0x1;
	s4 =	sor.u32 s4, s8  }
0x9: {  	v10 =	vimm.s32 $0xA;
	v11 =	vimm.s32 $0xB;
	v12 =	vimm.s32 $0xC;
	s7 =	ssub.s32 s7, s9;
	s8 =	sshrl.u32 s4, $0x3;
	s9 =	simm.s32 $0x2000  }
0xa: {  	v13 =	vimm.s32 $0xD;
	v14 =	vimm.s32 $0xE;
	v15 =	vimm.s32 $0xF;
	s6 =	sadd.s32 s6, s8;
	s7 =	smax.u32 s7, $0x1;
	s8 =	simm.s32 $0x1  }
.LBB2_1:
0xb: {  	[tilespmem:s3], [sflag:$0x1] =	stream.linear.gather [hbm4b:s6+s3], $0x2000, $0x38;
	[tilespmem:$0x6000] =	vst v63  }
0xc: {  	_ =	swait.ge [sflag:s8], $0x2000  }
0xd: {  	[sflag:s8] =	ssyncset.done $0x0  }
0xe: {  	s11 =	simm.s32 $0x0;
	[sflag:s8] =	ssyncadd.s32 $0xFFFFE000  }
.LBB2_2:
0xf: {  	s13 =	sshll.u32 s11, $0xA  }
0x10: {  	s12 =	sor.u32 s4, s13  }
0x11: {  	s12 =	sshll.u32 s12, $0x1  }
0x12: {  	s15 =	simm.s32 $0x0;
	s14 =	sadd.s32 s1, s12  }
0x13: {  	[tilespmem:s9], [sflag:$0x1] =	stream.linear.gather [hbm4b:s14+s15], $0x4000, $0x38;
	[tilespmem:$0x6000] =	vst v63  }
0x14: {  	s31 =	sand.u32 $0x380, s15;
	_ =	swait.ge [sflag:s8], $0x4000  }
0x15: {  	s15 =	sand.u32 $0x70, s15;
	s14 =	sadd.s32 s31, s13;
	[sflag:s8] =	ssyncset.done $0x0  }
0x16: {  	s14 =	sadd.s32 s15, s14;
	[sflag:s8] =	ssyncadd.s32 $0xFFFFC000  }
0x17: {  	v16 =	vld [tilespmem:s14+$0x0]  }
0x18: {  	s15 =	simm.s32 $0x2080  }
0x19: {  	v17 =	vld [tilespmem:s15+$0xFFFFFF80]  }
0x1a: {  	v18 =	vld [tilespmem:s15+$0xFFFFFF90]  }
0x1b: {  	v19 =	vld [tilespmem:s15+$0xFFFFFFA0]  }
0x1c: {  	v20 =	vld [tilespmem:s15+$0xFFFFFFB0];
	v21 =	vperm.xlane v16, v0  }
0x1d: {  	v23 =	vld [tilespmem:s15+$0xFFFFFFC0];
	v22 =	vperm.xlane v16, v1  }
0x1e: {  	v24 =	vld [tilespmem:s15+$0xFFFFFFD0];
	v25 =	vperm.xlane v16, v2;
	v17 =	vmul.f32 v21, v17  }
0x1f: {  	v51 =	vld [tilespmem:s15+$0xFFFFFFE0];
	v50 =	vperm.xlane v16, v3;
	v18 =	vmul.f32 v22, v18  }
0x20: {  	v26 =	vld [tilespmem:s15+$0xFFFFFFF0];
	v19 =	vmul.f32 v25, v19;
	[tilespmem:s15+$0xFFFFFF80] =	vst v17;
	v17 =	vperm.xlane v16, v4  }
0x21: {  	v52 =	vperm.xlane v16, v5;
	v20 =	vmul.f32 v50, v20;
	[tilespmem:s15+$0xFFFFFF90] =	vst v18;
	v18 =	vld [tilespmem:s15+$0x0]  }
0x22: {  	v53 =	vld [tilespmem:s15+$0x10];
	v27 =	vperm.xlane v16, v6;
	[tilespmem:s15+$0xFFFFFFA0] =	vst v19;
	v17 =	vmul.f32 v17, v23  }
0x23: {  	v58 =	vld [tilespmem:s15+$0x50];
	v21 =	vmul.f32 v52, v24;
	v19 =	vperm.xlane v16, v7;
	[tilespmem:s15+$0xFFFFFFB0] =	vst v20  }
0x24: {  	v55 =	vld [tilespmem:s15+$0x30];
	v22 =	vmul.f32 v27, v51;
	[tilespmem:s15+$0xFFFFFFC0] =	vst v17;
	v17 =	vperm.xlane v16, v8  }
0x25: {  	v57 =	vld [tilespmem:s15+$0x40];
	v56 =	vperm.xlane v16, v9;
	[tilespmem:s15+$0xFFFFFFD0] =	vst v21;
	v19 =	vmul.f32 v19, v26  }
0x26: {  	v54 =	vld [tilespmem:s15+$0x20];
	v61 =	vperm.xlane v16, v13;
	[tilespmem:s15+$0xFFFFFFE0] =	vst v22;
	v17 =	vmul.f32 v17, v18  }
0x27: {  	v60 =	vperm.xlane v16, v11;
	v24 =	vmul.f32 v56, v53;
	[tilespmem:s15+$0xFFFFFFF0] =	vst v19;
	v19 =	vld [tilespmem:s15+$0x60]  }
0x28: {  	v63 =	vmul.f32 v61, v58;
	v18 =	vld [tilespmem:s15+$0x70];
	[tilespmem:s15+$0x0] =	vst v17;
	v17 =	vperm.xlane v16, v12  }
0x29: {  	v59 =	vperm.xlane v16, v10;
	v20 =	vmul.f32 v60, v55;
	[tilespmem:s15+$0x10] =	vst v24  }
0x2a: {  	v62 =	vperm.xlane v16, v14;
	[tilespmem:s15+$0x50] =	vst v63;
	v17 =	vmul.f32 v17, v57  }
0x2b: {  	v23 =	vmul.f32 v59, v54;
	[tilespmem:s15+$0x30] =	vst v20;
	v16 =	vperm.xlane v16, v15  }
0x2c: {  	s17 =	simm.s32 $0x10;
	[tilespmem:s15+$0x40] =	vst v17;
	v17 =	vmul.f32 v62, v19  }
0x2d: {  	s16 =	simm.s32 $0x20;
	s18 =	sand.u32 $0x380, s17;
	s14 =	simm.s32 $0x2180;
	[tilespmem:s15+$0x20] =	vst v23;
	v16 =	vmul.f32 v16, v18  }
.LBB2_3:
0x2e: {  	p0 =	sne.s32 s16, $0x3F0;
	s17 =	sand.u32 $0x70, s17;
	s18 =	sadd.s32 s18, s13;
	[tilespmem:s15+$0x60] =	vst v17  }
0x2f: {  	s18 =	sadd.s32 s17, s18;
	v17 =	vld [tilespmem:s14+$0xFFFFFFB0];
	[tilespmem:s15+$0x70] =	vst v16;
	s17 =	smov.u32 s16;
	s15 =	smov.u32 s14  }
0x30: {  	v16 =	vld [tilespmem:s18+$0x0]  }
0x31: {  	v18 =	vld [tilespmem:s14+$0xFFFFFF90]  }
0x32: {  	v19 =	vld [tilespmem:s14+$0xFFFFFF80]  }
0x33: {  	v20 =	vld [tilespmem:s14+$0xFFFFFFA0]  }
0x34: {  	v21 =	vld [tilespmem:s14+$0xFFFFFFF0]  }
0x35: {  	v22 =	vperm.xlane v16, v0;
	v23 =	vperm.xlane v16, v1;
	v24 =	vld [tilespmem:s14+$0xFFFFFFD0]  }
0x36: {  	v25 =	vperm.xlane v16, v2;
	v26 =	vperm.xlane v16, v3;
	v27 =	vld [tilespmem:s14+$0xFFFFFFC0]  }
0x37: {  	v19 =	vmul.f32 v22, v19;
	v18 =	vmul.f32 v23, v18;
	v22 =	vld [tilespmem:s14+$0xFFFFFFE0]  }
0x38: {  	v17 =	vmul.f32 v26, v17;
	v20 =	vmul.f32 v25, v20;
	v23 =	vld [tilespmem:s14+$0x30]  }
0x39: {  	v25 =	vperm.xlane v16, v5;
	[tilespmem:s14+$0xFFFFFF80] =	vst v19;
	v19 =	vperm.xlane v16, v4;
	v26 =	vld [tilespmem:s14+$0x10]  }
0x3a: {  	v28 =	vperm.xlane v16, v7;
	[tilespmem:s14+$0xFFFFFF90] =	vst v18;
	v18 =	vperm.xlane v16, v6;
	v29 =	vld [tilespmem:s14+$0x0]  }
0x3b: {  	[tilespmem:s14+$0xFFFFFFA0] =	vst v20;
	v19 =	vmul.f32 v19, v27;
	v20 =	vmul.f32 v25, v24;
	v24 =	vld [tilespmem:s14+$0x20]  }
0x3c: {  	[tilespmem:s14+$0xFFFFFFB0] =	vst v17;
	v17 =	vmul.f32 v18, v22;
	v18 =	vmul.f32 v28, v21;
	v21 =	vld [tilespmem:s14+$0x70]  }
0x3d: {  	v22 =	vperm.xlane v16, v9;
	[tilespmem:s14+$0xFFFFFFC0] =	vst v19;
	v19 =	vperm.xlane v16, v8;
	v25 =	vld [tilespmem:s14+$0x50]  }
0x3e: {  	v27 =	vperm.xlane v16, v11;
	[tilespmem:s14+$0xFFFFFFD0] =	vst v20;
	v20 =	vperm.xlane v16, v10;
	v28 =	vld [tilespmem:s14+$0x40]  }
0x3f: {  	[tilespmem:s14+$0xFFFFFFE0] =	vst v17;
	v17 =	vmul.f32 v19, v29;
	v19 =	vmul.f32 v22, v26;
	v22 =	vld [tilespmem:s14+$0x60]  }
0x40: {  	[tilespmem:s14+$0xFFFFFFF0] =	vst v18;
	v18 =	vmul.f32 v20, v24;
	v20 =	vmul.f32 v27, v23  }
0x41: {  	v23 =	vperm.xlane v16, v13;
	[tilespmem:s14+$0x0] =	vst v17;
	v17 =	vperm.xlane v16, v12  }
.Ltmp0:
0x42: {  	[tilespmem:s14+$0x10] =	vst v19;
	v19 =	vperm.xlane v16, v14;
	v16 =	vperm.xlane v16, v15;
	(pc) =	sbr.rel @p0 .LBB2_3-.Ltmp0, $4  }
0x43: {  	v23 =	vmul.f32 v23, v25;
	[tilespmem:s14+$0x20] =	vst v18;
	v18 =	vmul.f32 v17, v28  }
0x44: {  	[tilespmem:s14+$0x30] =	vst v20;
	v17 =	vmul.f32 v19, v22;
	v16 =	vmul.f32 v16, v21  }
0x45: {  	[tilespmem:s14+$0x40] =	vst v18  }
0x46: {  	s16 =	sadd.s32 $0x10, s16;
	s18 =	sand.u32 $0x380, s17;
	s14 =	sadd.s32 $0x100, s14;
	[tilespmem:s15+$0x50] =	vst v23  }
0x47: {  	s16 =	sand.u32 $0x70, s17;
	s13 =	sadd.s32 s18, s13;
	[tilespmem:s15+$0x60] =	vst v17  }
0x48: {  	[tilespmem:s15+$0x70] =	vst v16;
	s13 =	sadd.s32 s16, s13  }
0x49: {  	v16 =	vld [tilespmem:s13+$0x0];
	_ =	sdelay $0x1  }
0x4a: {  	v17 =	vld [tilespmem:s14+$0xFFFFFF80]  }
0x4b: {  	v18 =	vld [tilespmem:s14+$0xFFFFFF90]  }
0x4c: {  	v19 =	vld [tilespmem:s14+$0xFFFFFFA0]  }
0x4d: {  	v20 =	vld [tilespmem:s14+$0xFFFFFFB0];
	v21 =	vperm.xlane v16, v0  }
0x4e: {  	v24 =	vld [tilespmem:s14+$0xFFFFFFD0];
	v22 =	vperm.xlane v16, v1  }
0x4f: {  	v46 =	vld [tilespmem:s14+$0xFFFFFFE0];
	v25 =	vperm.xlane v16, v2;
	v17 =	vmul.f32 v21, v17  }
0x50: {  	v23 =	vld [tilespmem:s14+$0xFFFFFFC0];
	v45 =	vperm.xlane v16, v3;
	v18 =	vmul.f32 v22, v18  }
0x51: {  	v49 =	vld [tilespmem:s14+$0x10];
	v47 =	vperm.xlane v16, v5;
	v19 =	vmul.f32 v25, v19;
	[tilespmem:s14+$0xFFFFFF80] =	vst v17  }
0x52: {  	v59 =	vld [tilespmem:s14+$0x60];
	v27 =	vperm.xlane v16, v6;
	v20 =	vmul.f32 v45, v20;
	[tilespmem:s14+$0xFFFFFF90] =	vst v18  }
0x53: {  	v26 =	vld [tilespmem:s14+$0xFFFFFFF0];
	v21 =	vmul.f32 v47, v24;
	v17 =	vperm.xlane v16, v4;
	[tilespmem:s14+$0xFFFFFFA0] =	vst v19  }
0x54: {  	v48 =	vld [tilespmem:s14+$0x0];
	v53 =	vperm.xlane v16, v9;
	v22 =	vmul.f32 v27, v46;
	[tilespmem:s14+$0xFFFFFFB0] =	vst v20  }
0x55: {  	v52 =	vld [tilespmem:s14+$0x30];
	v62 =	vperm.xlane v16, v14;
	[tilespmem:s14+$0xFFFFFFD0] =	vst v21;
	v17 =	vmul.f32 v17, v23  }
0x56: {  	v55 =	vld [tilespmem:s14+$0x50];
	v50 =	vperm.xlane v16, v7;
	v58 =	vmul.f32 v53, v49;
	[tilespmem:s14+$0xFFFFFFE0] =	vst v22  }
0x57: {  	v51 =	vld [tilespmem:s14+$0x20];
	v63 =	vmul.f32 v62, v59;
	[tilespmem:s14+$0xFFFFFFC0] =	vst v17;
	v17 =	vperm.xlane v16, v8  }
0x58: {  	v54 =	vld [tilespmem:s14+$0x40];
	v57 =	vperm.xlane v16, v11;
	v19 =	vmul.f32 v50, v26;
	[tilespmem:s14+$0x10] =	vst v58  }
0x59: {  	v60 =	vld [tilespmem:s14+$0x70];
	v61 =	vperm.xlane v16, v13;
	[tilespmem:s14+$0x60] =	vst v63;
	v17 =	vmul.f32 v17, v48  }
0x5a: {  	v56 =	vperm.xlane v16, v10;
	v18 =	vmul.f32 v57, v52;
	[tilespmem:s14+$0xFFFFFFF0] =	vst v19  }
0x5b: {  	v20 =	vmul.f32 v61, v55;
	[tilespmem:s14+$0x0] =	vst v17;
	v17 =	vperm.xlane v16, v12  }
0x5c: {  	v23 =	vmul.f32 v56, v51;
	[tilespmem:s14+$0x30] =	vst v18;
	v16 =	vperm.xlane v16, v15  }
0x5d: {  	[tilespmem:s14+$0x50] =	vst v20;
	v17 =	vmul.f32 v17, v54  }
0x5e: {  	s11 =	sadd.s32 $0x1, s11;
	[tilespmem:s14+$0x20] =	vst v23;
	v16 =	vmul.f32 v16, v60  }
0x5f: {  	p0 =	sne.s32 s11, $0x8;
	[tilespmem:s14+$0x40] =	vst v17  }
.Ltmp1:
0x60: {  	s12 =	sadd.s32 s5, s12;
	[tilespmem:s14+$0x70] =	vst v16;
	(pc) =	sbr.rel @p0 .LBB2_2-.Ltmp1, $4  }
0x61: {  	[hbm4b:s12+s3] =	stream.linear.scatter [tilespmem:s9], [sflag:$0x1], $0x4000, $0x38;
	[tilespmem:$0x6000] =	vst v63  }
0x62: {  	_ =	swait.ge [sflag:s8], $0x4000  }
0x63: {  	[sflag:s8] =	ssyncset.done $0x0  }
0x64: {  	[sflag:s8] =	ssyncadd.s32 $0xFFFFC000  }
0x65: {  	s10 =	sadd.s32 $0x1, s10  }
0x66: {  	p0 =	sne.s32 s10, s7  }
.Ltmp2:
0x67: {  	_ = 	snop;
	(pc) =	sbr.rel @p0 .LBB2_1-.Ltmp2, $1  }
0x68: {  	_ =	sdelay $0x3  }
0x69: {  	_ =	sfence.sel $0x180000  }
0x6a: {  	[bflag:$0x0] =	sbarrier.arrive $0xFFFF  }
0x6b: {  	p0 =	sne.s32 s2, $0x0;
	_ =	strace $0x90000047  }
0x6c: {  	s0 =	sadd.s32 @!p0 $0x100000, s0;
	[bflag:$0x2] =	sbarrier.arrive $0xFFFF  }
0x6d: {  	[sflag:s0] =	ssyncadd.tile.s32 @!p0 $0x1;
	_ =	shalt  }
.Lfunc_end2:
_tile_overlayer_lowered:
.L_overlay_start_2:
0x6e: {  	(tag) =	ssettag $0x2  }
0x6f: {  	s0 =	rddreg [dreg:$0x0];
	s2 =	stileid.u32  }
0x70: {  	s1 =	rddreg [dreg:$0x1];
	p0 =	sne.s32 s2, $0x0  }
0x71: {  	s3 =	rddreg [dreg:$0x2];
	[bflag:$0x3] =	sbarrier.arrive $0xFFFF;
	s2 =	simm.s32 @!p0 $0x1C01  }
0x72: {  	[timem:s3], [sflag:s2] =	dma.local @!p0 [hbm:s0], s1  }
0x73: {  	s0 =	simm.s32 @!p0 $0x1  }
0x74: {  	_ =	swait.ge @!p0 [sflag:s0], s1  }
0x75: {  	s1 =	ssub.s32 @!p0 $0x0, s1;
	[sflag:s0] =	ssyncset.done @!p0 $0x0  }
0x76: {  	[sflag:s0] =	ssyncadd.s32 @!p0 s1  }
0x77: {  	[bflag:$0x3] =	sbarrier.arrive $0xFFFF  }
0x78: {  	_ =	shalt  }

</sc_bundles>
